<compile_context>
chip_gen: v7x
topology: tpu7x:2x2x1
jax: 0.10.2.dev20260603
libtpu: 0.0.44.dev20260713+nightly
codegen_flags: <defaults>
</compile_context>

<pallas_src>
import functools

import jax
import jax.numpy as jnp
from jax import lax
from jax.experimental import pallas as pl
from jax.experimental.pallas import tpu as pltpu
from jax.experimental.pallas import tpu_sc as plsc

_NC, _NS, _L = 2, 16, 16
_NW = _NC * _NS
_CH = 4


def _sc_add(x, emb):
    B, T, D = x.shape
    TW = T // _NW
    NCH = TW // _CH
    mesh = plsc.VectorSubcoreMesh(core_axis_name="c", subcore_axis_name="s")

    @functools.partial(
        pl.kernel,
        mesh=mesh,
        out_type=jax.ShapeDtypeStruct((B, T, D), jnp.float32),
        scratch_types=[
            pltpu.VMEM((2, B, _CH, D), jnp.float32),
            pltpu.VMEM((2, B, _CH, D), jnp.float32),
            pltpu.VMEM((2, _CH, D), jnp.float32),
            pltpu.SemaphoreType.DMA,
            pltpu.SemaphoreType.DMA,
            pltpu.SemaphoreType.DMA,
            pltpu.SemaphoreType.DMA,
            pltpu.SemaphoreType.DMA,
            pltpu.SemaphoreType.DMA,
        ],
    )
    def k(x_hbm, emb_hbm, out_hbm, x_v, o_v, emb_v,
          xs0, xs1, es0, es1, os0, os1):
        x_sem = (xs0, xs1)
        e_sem = (es0, es1)
        o_sem = (os0, os1)
        wid = lax.axis_index("s") * _NC + lax.axis_index("c")
        t0 = wid * TW

        def start_in(c, s):
            src_t = t0 + c * _CH
            pltpu.make_async_copy(
                emb_hbm.at[pl.ds(src_t, _CH)], emb_v.at[s], e_sem[s]
            ).start()
            pltpu.make_async_copy(
                x_hbm.at[:, pl.ds(src_t, _CH)], x_v.at[s], x_sem[s]
            ).start()

        def wait_in(s):
            pltpu.make_async_copy(
                emb_hbm.at[pl.ds(t0, _CH)], emb_v.at[s], e_sem[s]
            ).wait()
            pltpu.make_async_copy(
                x_hbm.at[:, pl.ds(t0, _CH)], x_v.at[s], x_sem[s]
            ).wait()

        def start_out(c, s):
            dst_t = t0 + c * _CH
            pltpu.make_async_copy(
                o_v.at[s], out_hbm.at[:, pl.ds(dst_t, _CH)], o_sem[s]
            ).start()

        def wait_out(s):
            pltpu.make_async_copy(
                o_v.at[s], out_hbm.at[:, pl.ds(t0, _CH)], o_sem[s]
            ).wait()

        start_in(0, 0)

        def pair(cp, carry):
            for cc in range(2):
                c = 2 * cp + cc
                s = cc

                @pl.when(c + 1 < NCH)
                def _():
                    start_in(c + 1, 1 - s)

                @pl.when(c >= 2)
                def _():
                    wait_out(s)

                wait_in(s)

                ng = D // _L

                @plsc.parallel_loop(0, _CH * ng, unroll=8)
                def _(g):
                    r = g // ng
                    j = g % ng
                    sl = pl.ds(j * _L, _L)
                    e = emb_v[s, r, sl]
                    for b in range(B):
                        o_v[s, b, r, sl] = x_v[s, b, r, sl] + e

                start_out(c, s)
            return carry

        lax.fori_loop(0, NCH // 2, pair, 0)
        wait_out(0)
        wait_out(1)

    return k(x, emb)


def kernel(x, embed):
    T = x.shape[1]
    return _sc_add(x, embed[:T])

# --- scband reference (transcript-rebuilt; emitter-appended) ---
"""Pipeline reference for scband-learned-positional-encoding-34119220199717 (READ-ONLY COPY).

The authoritative reference and input builder live on the scoring server;
editing this copy changes nothing except your own understanding.
"""

import jax, jax.numpy as jnp
import numpy as np

D_MODEL = 1024
MAX_LEN = 2048
BATCH = 4
SEQ = 2048

def setup_inputs(seed: int = 0) -> dict:
    key = jax.random.key(seed)
    k_x, k_emb = jax.random.split(key)
    x = jax.random.normal(k_x, (BATCH, SEQ, D_MODEL), dtype=jnp.float32)
    # nn.Embedding default init: N(0, 1)
    embed = jax.random.normal(k_emb, (MAX_LEN, D_MODEL), dtype=jnp.float32)
    return {"x": x, "embed": embed}

def reference(x, embed):
    # forward: pos = arange(T); out = dropout(x + embed(pos))
    # dropout is identity in eval/inference mode
    T = x.shape[1]
    pos = jnp.arange(T)
    pos_emb = jnp.take(embed, pos, axis=0)  # [T, d_model]
    out = x + pos_emb[None, :, :]
    return out

if __name__ == "__main__":
    import jax
    _d = setup_inputs()
    print(jax.jit(kernel)(*tuple(_d.values())))

</pallas_src>

<mosaic_0001>
#map = affine_map<(d0, d1) -> (0, 0, 0)>
#map1 = affine_map<(d0, d1) -> (0, 0)>
module attributes {stable_mosaic.version = 14 : i64} {
  func.func @k(%arg0: i32, %arg1: i32, %arg2: memref<4x2048x1024xf32, #tpu.memory_space<hbm>>, %arg3: memref<2048x1024xf32, #tpu.memory_space<hbm>>, %arg4: memref<4x2048x1024xf32, #tpu.memory_space<hbm>>, %arg5: memref<2x4x4x1024xf32, #tpu.memory_space<vmem>>, %arg6: memref<2x4x4x1024xf32, #tpu.memory_space<vmem>>, %arg7: memref<2x4x1024xf32, #tpu.memory_space<vmem>>, %arg8: memref<!tpu.dma_semaphore, #tpu.memory_space<semaphore_mem>>, %arg9: memref<!tpu.dma_semaphore, #tpu.memory_space<semaphore_mem>>, %arg10: memref<!tpu.dma_semaphore, #tpu.memory_space<semaphore_mem>>, %arg11: memref<!tpu.dma_semaphore, #tpu.memory_space<semaphore_mem>>, %arg12: memref<!tpu.dma_semaphore, #tpu.memory_space<semaphore_mem>>, %arg13: memref<!tpu.dma_semaphore, #tpu.memory_space<semaphore_mem>>) attributes {dimension_semantics = [#tpu.dimension_semantics<core_parallel>, #tpu.dimension_semantics<subcore_parallel>], iteration_bounds = array<i64: 2, 16>, scalar_prefetch = 0 : i64, scratch_operands = 9 : i64, tpu.core_type = #tpu.core_type<sc_vector_subcore>, window_params = [{transform_indices = #map}, {transform_indices = #map1}, {transform_indices = #map}]} {
    %mul3A = arith.constant 2 : i32
    %mul3A_0 = arith.muli %arg1, %mul3A : i32
    %add3A = arith.addi %mul3A_0, %arg0 : i32
    %mul3A_1 = arith.constant 64 : i32
    %mul3A_2 = arith.muli %add3A, %mul3A_1 : i32
    %add3A_3 = arith.constant 0 : i32
    %add3A_4 = arith.addi %mul3A_2, %add3A_3 : i32
    %dma_start3A = arith.constant 0 : i32
    %dma_start3A_5 = arith.constant 0 : i32
    %dma_start3A_6 = arith.constant 0 : i32
    %dma_start3A_7 = tpu.memref_slice %arg7[%dma_start3A, %dma_start3A_5, %dma_start3A_6] : memref<2x4x1024xf32, #tpu.memory_space<vmem>> -> memref<1x4x1024xf32, #tpu.memory_space<vmem>>
    %dma_start3A_8 = tpu.memref_squeeze %dma_start3A_7 : memref<1x4x1024xf32, #tpu.memory_space<vmem>> -> memref<4x1024xf32, #tpu.memory_space<vmem>>
    %dma_start3A_9 = arith.constant 0 : i32
    %dma_start3A_10 = tpu.memref_slice %arg3[%add3A_4, %dma_start3A_9] : memref<2048x1024xf32, #tpu.memory_space<hbm>> -> memref<4x1024xf32, #tpu.memory_space<hbm>>
    %dma_start3A_11 = arith.constant 0 : i32
    %dma_start3A_12 = arith.constant 0 : i32
    %dma_start3A_13 = tpu.memref_slice %arg7[%dma_start3A, %dma_start3A_11, %dma_start3A_12] : memref<2x4x1024xf32, #tpu.memory_space<vmem>> -> memref<1x4x1024xf32, #tpu.memory_space<vmem>>
    %dma_start3A_14 = tpu.memref_squeeze %dma_start3A_13 : memref<1x4x1024xf32, #tpu.memory_space<vmem>> -> memref<4x1024xf32, #tpu.memory_space<vmem>>
    %dma_start3A_15 = arith.constant 0 : i32
    %dma_start3A_16 = tpu.memref_slice %arg3[%add3A_4, %dma_start3A_15] : memref<2048x1024xf32, #tpu.memory_space<hbm>> -> memref<4x1024xf32, #tpu.memory_space<hbm>>
    tpu.enqueue_dma source(%dma_start3A_16 : memref<4x1024xf32, #tpu.memory_space<hbm>>) target(%dma_start3A_14 : memref<4x1024xf32, #tpu.memory_space<vmem>>) target_semaphore(%arg10 : memref<!tpu.dma_semaphore, #tpu.memory_space<semaphore_mem>>)
    %dma_start3A_17 = arith.constant 0 : i32
    %dma_start3A_18 = arith.constant 0 : i32
    %dma_start3A_19 = arith.constant 0 : i32
    %dma_start3A_20 = arith.constant 0 : i32
    %dma_start3A_21 = tpu.memref_slice %arg5[%dma_start3A_17, %dma_start3A_18, %dma_start3A_19, %dma_start3A_20] : memref<2x4x4x1024xf32, #tpu.memory_space<vmem>> -> memref<1x4x4x1024xf32, #tpu.memory_space<vmem>>
    %dma_start3A_22 = tpu.memref_squeeze %dma_start3A_21 : memref<1x4x4x1024xf32, #tpu.memory_space<vmem>> -> memref<4x4x1024xf32, #tpu.memory_space<vmem>>
    %dma_start3A_23 = arith.constant 0 : i32
    %dma_start3A_24 = arith.constant 0 : i32
    %dma_start3A_25 = tpu.memref_slice %arg2[%dma_start3A_23, %add3A_4, %dma_start3A_24] : memref<4x2048x1024xf32, #tpu.memory_space<hbm>> -> memref<4x4x1024xf32, #tpu.memory_space<hbm>>
    %dma_start3A_26 = arith.constant 0 : i32
    %dma_start3A_27 = arith.constant 0 : i32
    %dma_start3A_28 = arith.constant 0 : i32
    %dma_start3A_29 = tpu.memref_slice %arg5[%dma_start3A_17, %dma_start3A_26, %dma_start3A_27, %dma_start3A_28] : memref<2x4x4x1024xf32, #tpu.memory_space<vmem>> -> memref<1x4x4x1024xf32, #tpu.memory_space<vmem>>
    %dma_start3A_30 = tpu.memref_squeeze %dma_start3A_29 : memref<1x4x4x1024xf32, #tpu.memory_space<vmem>> -> memref<4x4x1024xf32, #tpu.memory_space<vmem>>
    %dma_start3A_31 = arith.constant 0 : i32
    %dma_start3A_32 = arith.constant 0 : i32
    %dma_start3A_33 = tpu.memref_slice %arg2[%dma_start3A_31, %add3A_4, %dma_start3A_32] : memref<4x2048x1024xf32, #tpu.memory_space<hbm>> -> memref<4x4x1024xf32, #tpu.memory_space<hbm>>
    tpu.enqueue_dma source(%dma_start3A_33 : memref<4x4x1024xf32, #tpu.memory_space<hbm>>) target(%dma_start3A_30 : memref<4x4x1024xf32, #tpu.memory_space<vmem>>) target_semaphore(%arg8 : memref<!tpu.dma_semaphore, #tpu.memory_space<semaphore_mem>>)
    %scan3A = arith.constant 0 : i32
    %scan3A_34 = arith.constant 0 : i32
    %scan3A_35 = arith.constant 8 : i32
    %scan3A_36 = arith.addi %scan3A_34, %scan3A_35 : i32
    %scan3A_37 = arith.constant 1 : i32
    scf.for %scan3A_72 = %scan3A_34 to %scan3A_36 step %scan3A_37  : i32 {
      %mul3A_73 = arith.constant 2 : i32
      %mul3A_74 = arith.muli %mul3A_73, %scan3A_72 : i32
      %add3A_75 = arith.constant 0 : i32
      %add3A_76 = arith.addi %mul3A_74, %add3A_75 : i32
      %add3A_77 = arith.constant 1 : i32
      %add3A_78 = arith.addi %add3A_76, %add3A_77 : i32
      %lt3A = arith.constant 16 : i32
      %lt3A_79 = arith.cmpi slt, %add3A_78, %lt3A : i32
      %convert_element_type3A = arith.extui %lt3A_79 : i1 to i32
      %cond3A = arith.constant 0 : i32
      %cond3A_80 = arith.cmpi ne, %convert_element_type3A, %cond3A : i32
      scf.if %cond3A_80 {
        %add3A_206 = arith.constant 1 : i32
        %add3A_207 = arith.addi %add3A_76, %add3A_206 : i32
        %mul3A_208 = arith.constant 4 : i32
        %mul3A_209 = arith.muli %add3A_207, %mul3A_208 : i32
        %add3A_210 = arith.addi %mul3A_2, %mul3A_209 : i32
        %dma_start3A_211 = arith.constant 1 : i32
        %dma_start3A_212 = arith.constant 0 : i32
        %dma_start3A_213 = arith.constant 0 : i32
        %dma_start3A_214 = tpu.memref_slice %arg7[%dma_start3A_211, %dma_start3A_212, %dma_start3A_213] : memref<2x4x1024xf32, #tpu.memory_space<vmem>> -> memref<1x4x1024xf32, #tpu.memory_space<vmem>>
        %dma_start3A_215 = tpu.memref_squeeze %dma_start3A_214 : memref<1x4x1024xf32, #tpu.memory_space<vmem>> -> memref<4x1024xf32, #tpu.memory_space<vmem>>
        %dma_start3A_216 = arith.constant 0 : i32
        %dma_start3A_217 = tpu.memref_slice %arg3[%add3A_210, %dma_start3A_216] : memref<2048x1024xf32, #tpu.memory_space<hbm>> -> memref<4x1024xf32, #tpu.memory_space<hbm>>
        %dma_start3A_218 = arith.constant 0 : i32
        %dma_start3A_219 = arith.constant 0 : i32
        %dma_start3A_220 = tpu.memref_slice %arg7[%dma_start3A_211, %dma_start3A_218, %dma_start3A_219] : memref<2x4x1024xf32, #tpu.memory_space<vmem>> -> memref<1x4x1024xf32, #tpu.memory_space<vmem>>
        %dma_start3A_221 = tpu.memref_squeeze %dma_start3A_220 : memref<1x4x1024xf32, #tpu.memory_space<vmem>> -> memref<4x1024xf32, #tpu.memory_space<vmem>>
        %dma_start3A_222 = arith.constant 0 : i32
        %dma_start3A_223 = tpu.memref_slice %arg3[%add3A_210, %dma_start3A_222] : memref<2048x1024xf32, #tpu.memory_space<hbm>> -> memref<4x1024xf32, #tpu.memory_space<hbm>>
        tpu.enqueue_dma source(%dma_start3A_223 : memref<4x1024xf32, #tpu.memory_space<hbm>>) target(%dma_start3A_221 : memref<4x1024xf32, #tpu.memory_space<vmem>>) target_semaphore(%arg11 : memref<!tpu.dma_semaphore, #tpu.memory_space<semaphore_mem>>)
        %dma_start3A_224 = arith.constant 1 : i32
        %dma_start3A_225 = arith.constant 0 : i32
        %dma_start3A_226 = arith.constant 0 : i32
        %dma_start3A_227 = arith.constant 0 : i32
        %dma_start3A_228 = tpu.memref_slice %arg5[%dma_start3A_224, %dma_start3A_225, %dma_start3A_226, %dma_start3A_227] : memref<2x4x4x1024xf32, #tpu.memory_space<vmem>> -> memref<1x4x4x1024xf32, #tpu.memory_space<vmem>>
        %dma_start3A_229 = tpu.memref_squeeze %dma_start3A_228 : memref<1x4x4x1024xf32, #tpu.memory_space<vmem>> -> memref<4x4x1024xf32, #tpu.memory_space<vmem>>
        %dma_start3A_230 = arith.constant 0 : i32
        %dma_start3A_231 = arith.constant 0 : i32
        %dma_start3A_232 = tpu.memref_slice %arg2[%dma_start3A_230, %add3A_210, %dma_start3A_231] : memref<4x2048x1024xf32, #tpu.memory_space<hbm>> -> memref<4x4x1024xf32, #tpu.memory_space<hbm>>
        %dma_start3A_233 = arith.constant 0 : i32
        %dma_start3A_234 = arith.constant 0 : i32
        %dma_start3A_235 = arith.constant 0 : i32
        %dma_start3A_236 = tpu.memref_slice %arg5[%dma_start3A_224, %dma_start3A_233, %dma_start3A_234, %dma_start3A_235] : memref<2x4x4x1024xf32, #tpu.memory_space<vmem>> -> memref<1x4x4x1024xf32, #tpu.memory_space<vmem>>
        %dma_start3A_237 = tpu.memref_squeeze %dma_start3A_236 : memref<1x4x4x1024xf32, #tpu.memory_space<vmem>> -> memref<4x4x1024xf32, #tpu.memory_space<vmem>>
        %dma_start3A_238 = arith.constant 0 : i32
        %dma_start3A_239 = arith.constant 0 : i32
        %dma_start3A_240 = tpu.memref_slice %arg2[%dma_start3A_238, %add3A_210, %dma_start3A_239] : memref<4x2048x1024xf32, #tpu.memory_space<hbm>> -> memref<4x4x1024xf32, #tpu.memory_space<hbm>>
        tpu.enqueue_dma source(%dma_start3A_240 : memref<4x4x1024xf32, #tpu.memory_space<hbm>>) target(%dma_start3A_237 : memref<4x4x1024xf32, #tpu.memory_space<vmem>>) target_semaphore(%arg9 : memref<!tpu.dma_semaphore, #tpu.memory_space<semaphore_mem>>)
      } else {
      }
      %ge3A = arith.constant 2 : i32
      %ge3A_81 = arith.cmpi sge, %add3A_76, %ge3A : i32
      %convert_element_type3A_82 = arith.extui %ge3A_81 : i1 to i32
      %cond3A_83 = arith.constant 0 : i32
      %cond3A_84 = arith.cmpi ne, %convert_element_type3A_82, %cond3A_83 : i32
      scf.if %cond3A_84 {
        %dma_wait3A_206 = arith.constant 0 : i32
        %dma_wait3A_207 = arith.constant 0 : i32
        %dma_wait3A_208 = arith.constant 0 : i32
        %dma_wait3A_209 = arith.constant 0 : i32
        %dma_wait3A_210 = tpu.memref_slice %arg6[%dma_wait3A_206, %dma_wait3A_207, %dma_wait3A_208, %dma_wait3A_209] : memref<2x4x4x1024xf32, #tpu.memory_space<vmem>> -> memref<1x4x4x1024xf32, #tpu.memory_space<vmem>>
        %dma_wait3A_211 = tpu.memref_squeeze %dma_wait3A_210 : memref<1x4x4x1024xf32, #tpu.memory_space<vmem>> -> memref<4x4x1024xf32, #tpu.memory_space<vmem>>
        %dma_wait3A_212 = arith.constant 0 : i32
        %dma_wait3A_213 = arith.constant 0 : i32
        %dma_wait3A_214 = tpu.memref_slice %arg4[%dma_wait3A_212, %mul3A_2, %dma_wait3A_213] : memref<4x2048x1024xf32, #tpu.memory_space<hbm>> -> memref<4x4x1024xf32, #tpu.memory_space<hbm>>
        %dma_wait3A_215 = arith.constant 0 : i32
        %dma_wait3A_216 = arith.constant 0 : i32
        %dma_wait3A_217 = tpu.memref_slice %arg4[%dma_wait3A_215, %mul3A_2, %dma_wait3A_216] : memref<4x2048x1024xf32, #tpu.memory_space<hbm>> -> memref<4x4x1024xf32, #tpu.memory_space<hbm>>
        %dma_wait3A_218 = arith.constant 0 : i32
        %dma_wait3A_219 = arith.constant 0 : i32
        %dma_wait3A_220 = arith.constant 0 : i32
        %dma_wait3A_221 = tpu.memref_slice %arg6[%dma_wait3A_206, %dma_wait3A_218, %dma_wait3A_219, %dma_wait3A_220] : memref<2x4x4x1024xf32, #tpu.memory_space<vmem>> -> memref<1x4x4x1024xf32, #tpu.memory_space<vmem>>
        %dma_wait3A_222 = tpu.memref_squeeze %dma_wait3A_221 : memref<1x4x4x1024xf32, #tpu.memory_space<vmem>> -> memref<4x4x1024xf32, #tpu.memory_space<vmem>>
        tpu.wait_dma2 semaphore(%arg12 : memref<!tpu.dma_semaphore, #tpu.memory_space<semaphore_mem>>) src(%dma_wait3A_222 : memref<4x4x1024xf32, #tpu.memory_space<vmem>>) dst(%dma_wait3A_217 : memref<4x4x1024xf32, #tpu.memory_space<hbm>>)
      } else {
      }
      %dma_wait3A_85 = arith.constant 0 : i32
      %dma_wait3A_86 = arith.constant 0 : i32
      %dma_wait3A_87 = arith.constant 0 : i32
      %dma_wait3A_88 = tpu.memref_slice %arg7[%dma_wait3A_85, %dma_wait3A_86, %dma_wait3A_87] : memref<2x4x1024xf32, #tpu.memory_space<vmem>> -> memref<1x4x1024xf32, #tpu.memory_space<vmem>>
      %dma_wait3A_89 = tpu.memref_squeeze %dma_wait3A_88 : memref<1x4x1024xf32, #tpu.memory_space<vmem>> -> memref<4x1024xf32, #tpu.memory_space<vmem>>
      %dma_wait3A_90 = arith.constant 0 : i32
      %dma_wait3A_91 = tpu.memref_slice %arg3[%mul3A_2, %dma_wait3A_90] : memref<2048x1024xf32, #tpu.memory_space<hbm>> -> memref<4x1024xf32, #tpu.memory_space<hbm>>
      %dma_wait3A_92 = arith.constant 0 : i32
      %dma_wait3A_93 = arith.constant 0 : i32
      %dma_wait3A_94 = tpu.memref_slice %arg7[%dma_wait3A_85, %dma_wait3A_92, %dma_wait3A_93] : memref<2x4x1024xf32, #tpu.memory_space<vmem>> -> memref<1x4x1024xf32, #tpu.memory_space<vmem>>
      %dma_wait3A_95 = tpu.memref_squeeze %dma_wait3A_94 : memref<1x4x1024xf32, #tpu.memory_space<vmem>> -> memref<4x1024xf32, #tpu.memory_space<vmem>>
      %dma_wait3A_96 = arith.constant 0 : i32
      %dma_wait3A_97 = tpu.memref_slice %arg3[%mul3A_2, %dma_wait3A_96] : memref<2048x1024xf32, #tpu.memory_space<hbm>> -> memref<4x1024xf32, #tpu.memory_space<hbm>>
      tpu.wait_dma2 semaphore(%arg10 : memref<!tpu.dma_semaphore, #tpu.memory_space<semaphore_mem>>) src(%dma_wait3A_97 : memref<4x1024xf32, #tpu.memory_space<hbm>>) dst(%dma_wait3A_95 : memref<4x1024xf32, #tpu.memory_space<vmem>>)
      %dma_wait3A_98 = arith.constant 0 : i32
      %dma_wait3A_99 = arith.constant 0 : i32
      %dma_wait3A_100 = arith.constant 0 : i32
      %dma_wait3A_101 = arith.constant 0 : i32
      %dma_wait3A_102 = tpu.memref_slice %arg5[%dma_wait3A_98, %dma_wait3A_99, %dma_wait3A_100, %dma_wait3A_101] : memref<2x4x4x1024xf32, #tpu.memory_space<vmem>> -> memref<1x4x4x1024xf32, #tpu.memory_space<vmem>>
      %dma_wait3A_103 = tpu.memref_squeeze %dma_wait3A_102 : memref<1x4x4x1024xf32, #tpu.memory_space<vmem>> -> memref<4x4x1024xf32, #tpu.memory_space<vmem>>
      %dma_wait3A_104 = arith.constant 0 : i32
      %dma_wait3A_105 = arith.constant 0 : i32
      %dma_wait3A_106 = tpu.memref_slice %arg2[%dma_wait3A_104, %mul3A_2, %dma_wait3A_105] : memref<4x2048x1024xf32, #tpu.memory_space<hbm>> -> memref<4x4x1024xf32, #tpu.memory_space<hbm>>
      %dma_wait3A_107 = arith.constant 0 : i32
      %dma_wait3A_108 = arith.constant 0 : i32
      %dma_wait3A_109 = arith.constant 0 : i32
      %dma_wait3A_110 = tpu.memref_slice %arg5[%dma_wait3A_98, %dma_wait3A_107, %dma_wait3A_108, %dma_wait3A_109] : memref<2x4x4x1024xf32, #tpu.memory_space<vmem>> -> memref<1x4x4x1024xf32, #tpu.memory_space<vmem>>
      %dma_wait3A_111 = tpu.memref_squeeze %dma_wait3A_110 : memref<1x4x4x1024xf32, #tpu.memory_space<vmem>> -> memref<4x4x1024xf32, #tpu.memory_space<vmem>>
      %dma_wait3A_112 = arith.constant 0 : i32
      %dma_wait3A_113 = arith.constant 0 : i32
      %dma_wait3A_114 = tpu.memref_slice %arg2[%dma_wait3A_112, %mul3A_2, %dma_wait3A_113] : memref<4x2048x1024xf32, #tpu.memory_space<hbm>> -> memref<4x4x1024xf32, #tpu.memory_space<hbm>>
      tpu.wait_dma2 semaphore(%arg8 : memref<!tpu.dma_semaphore, #tpu.memory_space<semaphore_mem>>) src(%dma_wait3A_114 : memref<4x4x1024xf32, #tpu.memory_space<hbm>>) dst(%dma_wait3A_111 : memref<4x4x1024xf32, #tpu.memory_space<vmem>>)
      %parallel_loop3A = arith.constant 0 : i32
      %parallel_loop3A_115 = arith.constant 256 : i32
      %parallel_loop3A_116 = arith.constant 1 : i32
      scf.for %parallel_loop3A_206 = %parallel_loop3A to %parallel_loop3A_115 step %parallel_loop3A_116  : i32 {
        %parallel_loop3A_207 = arith.constant 64 : i32
        %parallel_loop3A_208 = arith.divsi %parallel_loop3A_206, %parallel_loop3A_207 : i32
        %parallel_loop3A_209 = arith.constant 0 : i32
        %parallel_loop3A_210 = arith.cmpi sgt, %parallel_loop3A_206, %parallel_loop3A_209 : i32
        %parallel_loop3A_211 = arith.extui %parallel_loop3A_210 : i1 to i32
        %parallel_loop3A_212 = arith.constant 0 : i32
        %parallel_loop3A_213 = arith.cmpi slt, %parallel_loop3A_206, %parallel_loop3A_212 : i32
        %parallel_loop3A_214 = arith.extui %parallel_loop3A_213 : i1 to i32
        %parallel_loop3A_215 = arith.subi %parallel_loop3A_211, %parallel_loop3A_214 : i32
        %parallel_loop3A_216 = arith.constant 0 : i32
        %parallel_loop3A_217 = arith.cmpi sgt, %parallel_loop3A_207, %parallel_loop3A_216 : i32
        %parallel_loop3A_218 = arith.extui %parallel_loop3A_217 : i1 to i32
        %parallel_loop3A_219 = arith.constant 0 : i32
        %parallel_loop3A_220 = arith.cmpi slt, %parallel_loop3A_207, %parallel_loop3A_219 : i32
        %parallel_loop3A_221 = arith.extui %parallel_loop3A_220 : i1 to i32
        %parallel_loop3A_222 = arith.subi %parallel_loop3A_218, %parallel_loop3A_221 : i32
        %parallel_loop3A_223 = arith.cmpi ne, %parallel_loop3A_215, %parallel_loop3A_222 : i32
        %parallel_loop3A_224 = arith.remsi %parallel_loop3A_206, %parallel_loop3A_207 : i32
        %parallel_loop3A_225 = arith.constant 0 : i32
        %parallel_loop3A_226 = arith.cmpi ne, %parallel_loop3A_224, %parallel_loop3A_225 : i32
        %parallel_loop3A_227 = arith.andi %parallel_loop3A_223, %parallel_loop3A_226 : i1
        %parallel_loop3A_228 = arith.constant 1 : i32
        %parallel_loop3A_229 = arith.subi %parallel_loop3A_208, %parallel_loop3A_228 : i32
        %parallel_loop3A_230 = arith.select %parallel_loop3A_227, %parallel_loop3A_229, %parallel_loop3A_208 : i32
        %parallel_loop3A_231 = arith.constant 64 : i32
        %parallel_loop3A_232 = arith.constant 0 : i32
        %parallel_loop3A_233 = arith.cmpi eq, %parallel_loop3A_231, %parallel_loop3A_232 : i32
        %parallel_loop3A_234 = arith.constant 1 : i32
        %parallel_loop3A_235 = arith.select %parallel_loop3A_233, %parallel_loop3A_234, %parallel_loop3A_231 : i32
        %parallel_loop3A_236 = arith.remsi %parallel_loop3A_206, %parallel_loop3A_235 : i32
        %parallel_loop3A_237 = arith.constant 0 : i32
        %parallel_loop3A_238 = arith.cmpi ne, %parallel_loop3A_236, %parallel_loop3A_237 : i32
        %parallel_loop3A_239 = arith.constant 0 : i32
        %parallel_loop3A_240 = arith.cmpi slt, %parallel_loop3A_236, %parallel_loop3A_239 : i32
        %parallel_loop3A_241 = arith.constant 0 : i32
        %parallel_loop3A_242 = arith.cmpi slt, %parallel_loop3A_235, %parallel_loop3A_241 : i32
        %parallel_loop3A_243 = arith.xori %parallel_loop3A_240, %parallel_loop3A_242 : i1
        %parallel_loop3A_244 = arith.andi %parallel_loop3A_243, %parallel_loop3A_238 : i1
        %parallel_loop3A_245 = arith.addi %parallel_loop3A_236, %parallel_loop3A_235 : i32
        %parallel_loop3A_246 = arith.select %parallel_loop3A_244, %parallel_loop3A_245, %parallel_loop3A_236 : i32
        %parallel_loop3A_247 = arith.constant 16 : i32
        %parallel_loop3A_248 = arith.muli %parallel_loop3A_246, %parallel_loop3A_247 : i32
        %parallel_loop3A_249 = arith.constant 0 : i32
        %parallel_loop3A_250 = arith.index_cast %parallel_loop3A_249 : i32 to index
        %parallel_loop3A_251 = arith.index_cast %parallel_loop3A_230 : i32 to index
        %parallel_loop3A_252 = arith.index_cast %parallel_loop3A_248 : i32 to index
        %parallel_loop3A_253 = tpu.vector_load %arg7[%parallel_loop3A_250, %parallel_loop3A_251, %parallel_loop3A_252] {strides = array<i32>} : memref<2x4x1024xf32, #tpu.memory_space<vmem>>, vector<1x1x16xf32>,
        %parallel_loop3A_254 = vector.shape_cast %parallel_loop3A_253 : vector<1x1x16xf32> to vector<16xf32>
        %parallel_loop3A_255 = arith.constant 0 : i32
        %parallel_loop3A_256 = arith.constant 0 : i32
        %parallel_loop3A_257 = arith.index_cast %parallel_loop3A_255 : i32 to index
        %parallel_loop3A_258 = arith.index_cast %parallel_loop3A_256 : i32 to index
        %parallel_loop3A_259 = arith.index_cast %parallel_loop3A_230 : i32 to index
        %parallel_loop3A_260 = arith.index_cast %parallel_loop3A_248 : i32 to index
        %parallel_loop3A_261 = tpu.vector_load %arg5[%parallel_loop3A_257, %parallel_loop3A_258, %parallel_loop3A_259, %parallel_loop3A_260] {strides = array<i32>} : memref<2x4x4x1024xf32, #tpu.memory_space<vmem>>, vector<1x1x1x16xf32>,
        %parallel_loop3A_262 = vector.shape_cast %parallel_loop3A_261 : vector<1x1x1x16xf32> to vector<16xf32>
        %parallel_loop3A_263 = arith.addf %parallel_loop3A_262, %parallel_loop3A_254 : vector<16xf32>
        %parallel_loop3A_264 = arith.constant 0 : i32
        %parallel_loop3A_265 = arith.constant 0 : i32
        %parallel_loop3A_266 = arith.index_cast %parallel_loop3A_264 : i32 to index
        %parallel_loop3A_267 = arith.index_cast %parallel_loop3A_265 : i32 to index
        %parallel_loop3A_268 = arith.index_cast %parallel_loop3A_230 : i32 to index
        %parallel_loop3A_269 = arith.index_cast %parallel_loop3A_248 : i32 to index
        %parallel_loop3A_270 = tpu.vector_load %arg6[%parallel_loop3A_266, %parallel_loop3A_267, %parallel_loop3A_268, %parallel_loop3A_269] {strides = array<i32>} : memref<2x4x4x1024xf32, #tpu.memory_space<vmem>>, vector<1x1x1x16xf32>,
        %parallel_loop3A_271 = vector.shape_cast %parallel_loop3A_270 : vector<1x1x1x16xf32> to vector<16xf32>
        %parallel_loop3A_272 = vector.shape_cast %parallel_loop3A_263 : vector<16xf32> to vector<1x1x1x16xf32>
        tpu.vector_store %arg6[%parallel_loop3A_266, %parallel_loop3A_267, %parallel_loop3A_268, %parallel_loop3A_269], %parallel_loop3A_272 {strides = array<i32>} : memref<2x4x4x1024xf32, #tpu.memory_space<vmem>>, vector<1x1x1x16xf32>,
        %parallel_loop3A_273 = arith.constant 0 : i32
        %parallel_loop3A_274 = arith.constant 1 : i32
        %parallel_loop3A_275 = arith.index_cast %parallel_loop3A_273 : i32 to index
        %parallel_loop3A_276 = arith.index_cast %parallel_loop3A_274 : i32 to index
        %parallel_loop3A_277 = arith.index_cast %parallel_loop3A_230 : i32 to index
        %parallel_loop3A_278 = arith.index_cast %parallel_loop3A_248 : i32 to index
        %parallel_loop3A_279 = tpu.vector_load %arg5[%parallel_loop3A_275, %parallel_loop3A_276, %parallel_loop3A_277, %parallel_loop3A_278] {strides = array<i32>} : memref<2x4x4x1024xf32, #tpu.memory_space<vmem>>, vector<1x1x1x16xf32>,
        %parallel_loop3A_280 = vector.shape_cast %parallel_loop3A_279 : vector<1x1x1x16xf32> to vector<16xf32>
        %parallel_loop3A_281 = arith.addf %parallel_loop3A_280, %parallel_loop3A_254 : vector<16xf32>
        %parallel_loop3A_282 = arith.constant 0 : i32
        %parallel_loop3A_283 = arith.constant 1 : i32
        %parallel_loop3A_284 = arith.index_cast %parallel_loop3A_282 : i32 to index
        %parallel_loop3A_285 = arith.index_cast %parallel_loop3A_283 : i32 to index
        %parallel_loop3A_286 = arith.index_cast %parallel_loop3A_230 : i32 to index
        %parallel_loop3A_287 = arith.index_cast %parallel_loop3A_248 : i32 to index
        %parallel_loop3A_288 = tpu.vector_load %arg6[%parallel_loop3A_284, %parallel_loop3A_285, %parallel_loop3A_286, %parallel_loop3A_287] {strides = array<i32>} : memref<2x4x4x1024xf32, #tpu.memory_space<vmem>>, vector<1x1x1x16xf32>,
        %parallel_loop3A_289 = vector.shape_cast %parallel_loop3A_288 : vector<1x1x1x16xf32> to vector<16xf32>
        %parallel_loop3A_290 = vector.shape_cast %parallel_loop3A_281 : vector<16xf32> to vector<1x1x1x16xf32>
        tpu.vector_store %arg6[%parallel_loop3A_284, %parallel_loop3A_285, %parallel_loop3A_286, %parallel_loop3A_287], %parallel_loop3A_290 {strides = array<i32>} : memref<2x4x4x1024xf32, #tpu.memory_space<vmem>>, vector<1x1x1x16xf32>,
        %parallel_loop3A_291 = arith.constant 0 : i32
        %parallel_loop3A_292 = arith.constant 2 : i32
        %parallel_loop3A_293 = arith.index_cast %parallel_loop3A_291 : i32 to index
        %parallel_loop3A_294 = arith.index_cast %parallel_loop3A_292 : i32 to index
        %parallel_loop3A_295 = arith.index_cast %parallel_loop3A_230 : i32 to index
        %parallel_loop3A_296 = arith.index_cast %parallel_loop3A_248 : i32 to index
        %parallel_loop3A_297 = tpu.vector_load %arg5[%parallel_loop3A_293, %parallel_loop3A_294, %parallel_loop3A_295, %parallel_loop3A_296] {strides = array<i32>} : memref<2x4x4x1024xf32, #tpu.memory_space<vmem>>, vector<1x1x1x16xf32>,
        %parallel_loop3A_298 = vector.shape_cast %parallel_loop3A_297 : vector<1x1x1x16xf32> to vector<16xf32>
        %parallel_loop3A_299 = arith.addf %parallel_loop3A_298, %parallel_loop3A_254 : vector<16xf32>
        %parallel_loop3A_300 = arith.constant 0 : i32
        %parallel_loop3A_301 = arith.constant 2 : i32
        %parallel_loop3A_302 = arith.index_cast %parallel_loop3A_300 : i32 to index
        %parallel_loop3A_303 = arith.index_cast %parallel_loop3A_301 : i32 to index
        %parallel_loop3A_304 = arith.index_cast %parallel_loop3A_230 : i32 to index
        %parallel_loop3A_305 = arith.index_cast %parallel_loop3A_248 : i32 to index
        %parallel_loop3A_306 = tpu.vector_load %arg6[%parallel_loop3A_302, %parallel_loop3A_303, %parallel_loop3A_304, %parallel_loop3A_305] {strides = array<i32>} : memref<2x4x4x1024xf32, #tpu.memory_space<vmem>>, vector<1x1x1x16xf32>,
        %parallel_loop3A_307 = vector.shape_cast %parallel_loop3A_306 : vector<1x1x1x16xf32> to vector<16xf32>
        %parallel_loop3A_308 = vector.shape_cast %parallel_loop3A_299 : vector<16xf32> to vector<1x1x1x16xf32>
        tpu.vector_store %arg6[%parallel_loop3A_302, %parallel_loop3A_303, %parallel_loop3A_304, %parallel_loop3A_305], %parallel_loop3A_308 {strides = array<i32>} : memref<2x4x4x1024xf32, #tpu.memory_space<vmem>>, vector<1x1x1x16xf32>,
        %parallel_loop3A_309 = arith.constant 0 : i32
        %parallel_loop3A_310 = arith.constant 3 : i32
        %parallel_loop3A_311 = arith.index_cast %parallel_loop3A_309 : i32 to index
        %parallel_loop3A_312 = arith.index_cast %parallel_loop3A_310 : i32 to index
        %parallel_loop3A_313 = arith.index_cast %parallel_loop3A_230 : i32 to index
        %parallel_loop3A_314 = arith.index_cast %parallel_loop3A_248 : i32 to index
        %parallel_loop3A_315 = tpu.vector_load %arg5[%parallel_loop3A_311, %parallel_loop3A_312, %parallel_loop3A_313, %parallel_loop3A_314] {strides = array<i32>} : memref<2x4x4x1024xf32, #tpu.memory_space<vmem>>, vector<1x1x1x16xf32>,
        %parallel_loop3A_316 = vector.shape_cast %parallel_loop3A_315 : vector<1x1x1x16xf32> to vector<16xf32>
        %parallel_loop3A_317 = arith.addf %parallel_loop3A_316, %parallel_loop3A_254 : vector<16xf32>
        %parallel_loop3A_318 = arith.constant 0 : i32
        %parallel_loop3A_319 = arith.constant 3 : i32
        %parallel_loop3A_320 = arith.index_cast %parallel_loop3A_318 : i32 to index
        %parallel_loop3A_321 = arith.index_cast %parallel_loop3A_319 : i32 to index
        %parallel_loop3A_322 = arith.index_cast %parallel_loop3A_230 : i32 to index
        %parallel_loop3A_323 = arith.index_cast %parallel_loop3A_248 : i32 to index
        %parallel_loop3A_324 = tpu.vector_load %arg6[%parallel_loop3A_320, %parallel_loop3A_321, %parallel_loop3A_322, %parallel_loop3A_323] {strides = array<i32>} : memref<2x4x4x1024xf32, #tpu.memory_space<vmem>>, vector<1x1x1x16xf32>,
        %parallel_loop3A_325 = vector.shape_cast %parallel_loop3A_324 : vector<1x1x1x16xf32> to vector<16xf32>
        %parallel_loop3A_326 = vector.shape_cast %parallel_loop3A_317 : vector<16xf32> to vector<1x1x1x16xf32>
        tpu.vector_store %arg6[%parallel_loop3A_320, %parallel_loop3A_321, %parallel_loop3A_322, %parallel_loop3A_323], %parallel_loop3A_326 {strides = array<i32>} : memref<2x4x4x1024xf32, #tpu.memory_space<vmem>>, vector<1x1x1x16xf32>,
      } {sc.loop_unroll_factor = 8 : i64, sc.parallel_access}
      %mul3A_117 = arith.constant 4 : i32
      %mul3A_118 = arith.muli %add3A_76, %mul3A_117 : i32
      %add3A_119 = arith.addi %mul3A_2, %mul3A_118 : i32
      %dma_start3A_120 = arith.constant 0 : i32
      %dma_start3A_121 = arith.constant 0 : i32
      %dma_start3A_122 = arith.constant 0 : i32
      %dma_start3A_123 = arith.constant 0 : i32
      %dma_start3A_124 = tpu.memref_slice %arg6[%dma_start3A_120, %dma_start3A_121, %dma_start3A_122, %dma_start3A_123] : memref<2x4x4x1024xf32, #tpu.memory_space<vmem>> -> memref<1x4x4x1024xf32, #tpu.memory_space<vmem>>
      %dma_start3A_125 = tpu.memref_squeeze %dma_start3A_124 : memref<1x4x4x1024xf32, #tpu.memory_space<vmem>> -> memref<4x4x1024xf32, #tpu.memory_space<vmem>>
      %dma_start3A_126 = arith.constant 0 : i32
      %dma_start3A_127 = arith.constant 0 : i32
      %dma_start3A_128 = tpu.memref_slice %arg4[%dma_start3A_126, %add3A_119, %dma_start3A_127] : memref<4x2048x1024xf32, #tpu.memory_space<hbm>> -> memref<4x4x1024xf32, #tpu.memory_space<hbm>>
      %dma_start3A_129 = arith.constant 0 : i32
      %dma_start3A_130 = arith.constant 0 : i32
      %dma_start3A_131 = tpu.memref_slice %arg4[%dma_start3A_129, %add3A_119, %dma_start3A_130] : memref<4x2048x1024xf32, #tpu.memory_space<hbm>> -> memref<4x4x1024xf32, #tpu.memory_space<hbm>>
      %dma_start3A_132 = arith.constant 0 : i32
      %dma_start3A_133 = arith.constant 0 : i32
      %dma_start3A_134 = arith.constant 0 : i32
      %dma_start3A_135 = tpu.memref_slice %arg6[%dma_start3A_120, %dma_start3A_132, %dma_start3A_133, %dma_start3A_134] : memref<2x4x4x1024xf32, #tpu.memory_space<vmem>> -> memref<1x4x4x1024xf32, #tpu.memory_space<vmem>>
      %dma_start3A_136 = tpu.memref_squeeze %dma_start3A_135 : memref<1x4x4x1024xf32, #tpu.memory_space<vmem>> -> memref<4x4x1024xf32, #tpu.memory_space<vmem>>
      tpu.enqueue_dma source(%dma_start3A_136 : memref<4x4x1024xf32, #tpu.memory_space<vmem>>) target(%dma_start3A_131 : memref<4x4x1024xf32, #tpu.memory_space<hbm>>) target_semaphore(%arg12 : memref<!tpu.dma_semaphore, #tpu.memory_space<semaphore_mem>>)
      %mul3A_137 = arith.constant 2 : i32
      %mul3A_138 = arith.muli %mul3A_137, %scan3A_72 : i32
      %add3A_139 = arith.constant 1 : i32
      %add3A_140 = arith.addi %mul3A_138, %add3A_139 : i32
      %add3A_141 = arith.constant 1 : i32
      %add3A_142 = arith.addi %add3A_140, %add3A_141 : i32
      %lt3A_143 = arith.constant 16 : i32
      %lt3A_144 = arith.cmpi slt, %add3A_142, %lt3A_143 : i32
      %convert_element_type3A_145 = arith.extui %lt3A_144 : i1 to i32
      %cond3A_146 = arith.constant 0 : i32
      %cond3A_147 = arith.cmpi ne, %convert_element_type3A_145, %cond3A_146 : i32
      scf.if %cond3A_147 {
        %add3A_206 = arith.constant 1 : i32
        %add3A_207 = arith.addi %add3A_140, %add3A_206 : i32
        %mul3A_208 = arith.constant 4 : i32
        %mul3A_209 = arith.muli %add3A_207, %mul3A_208 : i32
        %add3A_210 = arith.addi %mul3A_2, %mul3A_209 : i32
        %dma_start3A_211 = arith.constant 0 : i32
        %dma_start3A_212 = arith.constant 0 : i32
        %dma_start3A_213 = arith.constant 0 : i32
        %dma_start3A_214 = tpu.memref_slice %arg7[%dma_start3A_211, %dma_start3A_212, %dma_start3A_213] : memref<2x4x1024xf32, #tpu.memory_space<vmem>> -> memref<1x4x1024xf32, #tpu.memory_space<vmem>>
        %dma_start3A_215 = tpu.memref_squeeze %dma_start3A_214 : memref<1x4x1024xf32, #tpu.memory_space<vmem>> -> memref<4x1024xf32, #tpu.memory_space<vmem>>
        %dma_start3A_216 = arith.constant 0 : i32
        %dma_start3A_217 = tpu.memref_slice %arg3[%add3A_210, %dma_start3A_216] : memref<2048x1024xf32, #tpu.memory_space<hbm>> -> memref<4x1024xf32, #tpu.memory_space<hbm>>
        %dma_start3A_218 = arith.constant 0 : i32
        %dma_start3A_219 = arith.constant 0 : i32
        %dma_start3A_220 = tpu.memref_slice %arg7[%dma_start3A_211, %dma_start3A_218, %dma_start3A_219] : memref<2x4x1024xf32, #tpu.memory_space<vmem>> -> memref<1x4x1024xf32, #tpu.memory_space<vmem>>
        %dma_start3A_221 = tpu.memref_squeeze %dma_start3A_220 : memref<1x4x1024xf32, #tpu.memory_space<vmem>> -> memref<4x1024xf32, #tpu.memory_space<vmem>>
        %dma_start3A_222 = arith.constant 0 : i32
        %dma_start3A_223 = tpu.memref_slice %arg3[%add3A_210, %dma_start3A_222] : memref<2048x1024xf32, #tpu.memory_space<hbm>> -> memref<4x1024xf32, #tpu.memory_space<hbm>>
        tpu.enqueue_dma source(%dma_start3A_223 : memref<4x1024xf32, #tpu.memory_space<hbm>>) target(%dma_start3A_221 : memref<4x1024xf32, #tpu.memory_space<vmem>>) target_semaphore(%arg10 : memref<!tpu.dma_semaphore, #tpu.memory_space<semaphore_mem>>)
        %dma_start3A_224 = arith.constant 0 : i32
        %dma_start3A_225 = arith.constant 0 : i32
        %dma_start3A_226 = arith.constant 0 : i32
        %dma_start3A_227 = arith.constant 0 : i32
        %dma_start3A_228 = tpu.memref_slice %arg5[%dma_start3A_224, %dma_start3A_225, %dma_start3A_226, %dma_start3A_227] : memref<2x4x4x1024xf32, #tpu.memory_space<vmem>> -> memref<1x4x4x1024xf32, #tpu.memory_space<vmem>>
        %dma_start3A_229 = tpu.memref_squeeze %dma_start3A_228 : memref<1x4x4x1024xf32, #tpu.memory_space<vmem>> -> memref<4x4x1024xf32, #tpu.memory_space<vmem>>
        %dma_start3A_230 = arith.constant 0 : i32
        %dma_start3A_231 = arith.constant 0 : i32
        %dma_start3A_232 = tpu.memref_slice %arg2[%dma_start3A_230, %add3A_210, %dma_start3A_231] : memref<4x2048x1024xf32, #tpu.memory_space<hbm>> -> memref<4x4x1024xf32, #tpu.memory_space<hbm>>
        %dma_start3A_233 = arith.constant 0 : i32
        %dma_start3A_234 = arith.constant 0 : i32
        %dma_start3A_235 = arith.constant 0 : i32
        %dma_start3A_236 = tpu.memref_slice %arg5[%dma_start3A_224, %dma_start3A_233, %dma_start3A_234, %dma_start3A_235] : memref<2x4x4x1024xf32, #tpu.memory_space<vmem>> -> memref<1x4x4x1024xf32, #tpu.memory_space<vmem>>
        %dma_start3A_237 = tpu.memref_squeeze %dma_start3A_236 : memref<1x4x4x1024xf32, #tpu.memory_space<vmem>> -> memref<4x4x1024xf32, #tpu.memory_space<vmem>>
        %dma_start3A_238 = arith.constant 0 : i32
        %dma_start3A_239 = arith.constant 0 : i32
        %dma_start3A_240 = tpu.memref_slice %arg2[%dma_start3A_238, %add3A_210, %dma_start3A_239] : memref<4x2048x1024xf32, #tpu.memory_space<hbm>> -> memref<4x4x1024xf32, #tpu.memory_space<hbm>>
        tpu.enqueue_dma source(%dma_start3A_240 : memref<4x4x1024xf32, #tpu.memory_space<hbm>>) target(%dma_start3A_237 : memref<4x4x1024xf32, #tpu.memory_space<vmem>>) target_semaphore(%arg8 : memref<!tpu.dma_semaphore, #tpu.memory_space<semaphore_mem>>)
      } else {
      }
      %ge3A_148 = arith.constant 2 : i32
      %ge3A_149 = arith.cmpi sge, %add3A_140, %ge3A_148 : i32
      %convert_element_type3A_150 = arith.extui %ge3A_149 : i1 to i32
      %cond3A_151 = arith.constant 0 : i32
      %cond3A_152 = arith.cmpi ne, %convert_element_type3A_150, %cond3A_151 : i32
      scf.if %cond3A_152 {
        %dma_wait3A_206 = arith.constant 1 : i32
        %dma_wait3A_207 = arith.constant 0 : i32
        %dma_wait3A_208 = arith.constant 0 : i32
        %dma_wait3A_209 = arith.constant 0 : i32
        %dma_wait3A_210 = tpu.memref_slice %arg6[%dma_wait3A_206, %dma_wait3A_207, %dma_wait3A_208, %dma_wait3A_209] : memref<2x4x4x1024xf32, #tpu.memory_space<vmem>> -> memref<1x4x4x1024xf32, #tpu.memory_space<vmem>>
        %dma_wait3A_211 = tpu.memref_squeeze %dma_wait3A_210 : memref<1x4x4x1024xf32, #tpu.memory_space<vmem>> -> memref<4x4x1024xf32, #tpu.memory_space<vmem>>
        %dma_wait3A_212 = arith.constant 0 : i32
        %dma_wait3A_213 = arith.constant 0 : i32
        %dma_wait3A_214 = tpu.memref_slice %arg4[%dma_wait3A_212, %mul3A_2, %dma_wait3A_213] : memref<4x2048x1024xf32, #tpu.memory_space<hbm>> -> memref<4x4x1024xf32, #tpu.memory_space<hbm>>
        %dma_wait3A_215 = arith.constant 0 : i32
        %dma_wait3A_216 = arith.constant 0 : i32
        %dma_wait3A_217 = tpu.memref_slice %arg4[%dma_wait3A_215, %mul3A_2, %dma_wait3A_216] : memref<4x2048x1024xf32, #tpu.memory_space<hbm>> -> memref<4x4x1024xf32, #tpu.memory_space<hbm>>
        %dma_wait3A_218 = arith.constant 0 : i32
        %dma_wait3A_219 = arith.constant 0 : i32
        %dma_wait3A_220 = arith.constant 0 : i32
        %dma_wait3A_221 = tpu.memref_slice %arg6[%dma_wait3A_206, %dma_wait3A_218, %dma_wait3A_219, %dma_wait3A_220] : memref<2x4x4x1024xf32, #tpu.memory_space<vmem>> -> memref<1x4x4x1024xf32, #tpu.memory_space<vmem>>
        %dma_wait3A_222 = tpu.memref_squeeze %dma_wait3A_221 : memref<1x4x4x1024xf32, #tpu.memory_space<vmem>> -> memref<4x4x1024xf32, #tpu.memory_space<vmem>>
        tpu.wait_dma2 semaphore(%arg13 : memref<!tpu.dma_semaphore, #tpu.memory_space<semaphore_mem>>) src(%dma_wait3A_222 : memref<4x4x1024xf32, #tpu.memory_space<vmem>>) dst(%dma_wait3A_217 : memref<4x4x1024xf32, #tpu.memory_space<hbm>>)
      } else {
      }
      %dma_wait3A_153 = arith.constant 1 : i32
      %dma_wait3A_154 = arith.constant 0 : i32
      %dma_wait3A_155 = arith.constant 0 : i32
      %dma_wait3A_156 = tpu.memref_slice %arg7[%dma_wait3A_153, %dma_wait3A_154, %dma_wait3A_155] : memref<2x4x1024xf32, #tpu.memory_space<vmem>> -> memref<1x4x1024xf32, #tpu.memory_space<vmem>>
      %dma_wait3A_157 = tpu.memref_squeeze %dma_wait3A_156 : memref<1x4x1024xf32, #tpu.memory_space<vmem>> -> memref<4x1024xf32, #tpu.memory_space<vmem>>
      %dma_wait3A_158 = arith.constant 0 : i32
      %dma_wait3A_159 = tpu.memref_slice %arg3[%mul3A_2, %dma_wait3A_158] : memref<2048x1024xf32, #tpu.memory_space<hbm>> -> memref<4x1024xf32, #tpu.memory_space<hbm>>
      %dma_wait3A_160 = arith.constant 0 : i32
      %dma_wait3A_161 = arith.constant 0 : i32
      %dma_wait3A_162 = tpu.memref_slice %arg7[%dma_wait3A_153, %dma_wait3A_160, %dma_wait3A_161] : memref<2x4x1024xf32, #tpu.memory_space<vmem>> -> memref<1x4x1024xf32, #tpu.memory_space<vmem>>
      %dma_wait3A_163 = tpu.memref_squeeze %dma_wait3A_162 : memref<1x4x1024xf32, #tpu.memory_space<vmem>> -> memref<4x1024xf32, #tpu.memory_space<vmem>>
      %dma_wait3A_164 = arith.constant 0 : i32
      %dma_wait3A_165 = tpu.memref_slice %arg3[%mul3A_2, %dma_wait3A_164] : memref<2048x1024xf32, #tpu.memory_space<hbm>> -> memref<4x1024xf32, #tpu.memory_space<hbm>>
      tpu.wait_dma2 semaphore(%arg11 : memref<!tpu.dma_semaphore, #tpu.memory_space<semaphore_mem>>) src(%dma_wait3A_165 : memref<4x1024xf32, #tpu.memory_space<hbm>>) dst(%dma_wait3A_163 : memref<4x1024xf32, #tpu.memory_space<vmem>>)
      %dma_wait3A_166 = arith.constant 1 : i32
      %dma_wait3A_167 = arith.constant 0 : i32
      %dma_wait3A_168 = arith.constant 0 : i32
      %dma_wait3A_169 = arith.constant 0 : i32
      %dma_wait3A_170 = tpu.memref_slice %arg5[%dma_wait3A_166, %dma_wait3A_167, %dma_wait3A_168, %dma_wait3A_169] : memref<2x4x4x1024xf32, #tpu.memory_space<vmem>> -> memref<1x4x4x1024xf32, #tpu.memory_space<vmem>>
      %dma_wait3A_171 = tpu.memref_squeeze %dma_wait3A_170 : memref<1x4x4x1024xf32, #tpu.memory_space<vmem>> -> memref<4x4x1024xf32, #tpu.memory_space<vmem>>
      %dma_wait3A_172 = arith.constant 0 : i32
      %dma_wait3A_173 = arith.constant 0 : i32
      %dma_wait3A_174 = tpu.memref_slice %arg2[%dma_wait3A_172, %mul3A_2, %dma_wait3A_173] : memref<4x2048x1024xf32, #tpu.memory_space<hbm>> -> memref<4x4x1024xf32, #tpu.memory_space<hbm>>
      %dma_wait3A_175 = arith.constant 0 : i32
      %dma_wait3A_176 = arith.constant 0 : i32
      %dma_wait3A_177 = arith.constant 0 : i32
      %dma_wait3A_178 = tpu.memref_slice %arg5[%dma_wait3A_166, %dma_wait3A_175, %dma_wait3A_176, %dma_wait3A_177] : memref<2x4x4x1024xf32, #tpu.memory_space<vmem>> -> memref<1x4x4x1024xf32, #tpu.memory_space<vmem>>
      %dma_wait3A_179 = tpu.memref_squeeze %dma_wait3A_178 : memref<1x4x4x1024xf32, #tpu.memory_space<vmem>> -> memref<4x4x1024xf32, #tpu.memory_space<vmem>>
      %dma_wait3A_180 = arith.constant 0 : i32
      %dma_wait3A_181 = arith.constant 0 : i32
      %dma_wait3A_182 = tpu.memref_slice %arg2[%dma_wait3A_180, %mul3A_2, %dma_wait3A_181] : memref<4x2048x1024xf32, #tpu.memory_space<hbm>> -> memref<4x4x1024xf32, #tpu.memory_space<hbm>>
      tpu.wait_dma2 semaphore(%arg9 : memref<!tpu.dma_semaphore, #tpu.memory_space<semaphore_mem>>) src(%dma_wait3A_182 : memref<4x4x1024xf32, #tpu.memory_space<hbm>>) dst(%dma_wait3A_179 : memref<4x4x1024xf32, #tpu.memory_space<vmem>>)
      %parallel_loop3A_183 = arith.constant 0 : i32
      %parallel_loop3A_184 = arith.constant 256 : i32
      %parallel_loop3A_185 = arith.constant 1 : i32
      scf.for %parallel_loop3A_206 = %parallel_loop3A_183 to %parallel_loop3A_184 step %parallel_loop3A_185  : i32 {
        %parallel_loop3A_207 = arith.constant 64 : i32
        %parallel_loop3A_208 = arith.divsi %parallel_loop3A_206, %parallel_loop3A_207 : i32
        %parallel_loop3A_209 = arith.constant 0 : i32
        %parallel_loop3A_210 = arith.cmpi sgt, %parallel_loop3A_206, %parallel_loop3A_209 : i32
        %parallel_loop3A_211 = arith.extui %parallel_loop3A_210 : i1 to i32
        %parallel_loop3A_212 = arith.constant 0 : i32
        %parallel_loop3A_213 = arith.cmpi slt, %parallel_loop3A_206, %parallel_loop3A_212 : i32
        %parallel_loop3A_214 = arith.extui %parallel_loop3A_213 : i1 to i32
        %parallel_loop3A_215 = arith.subi %parallel_loop3A_211, %parallel_loop3A_214 : i32
        %parallel_loop3A_216 = arith.constant 0 : i32
        %parallel_loop3A_217 = arith.cmpi sgt, %parallel_loop3A_207, %parallel_loop3A_216 : i32
        %parallel_loop3A_218 = arith.extui %parallel_loop3A_217 : i1 to i32
        %parallel_loop3A_219 = arith.constant 0 : i32
        %parallel_loop3A_220 = arith.cmpi slt, %parallel_loop3A_207, %parallel_loop3A_219 : i32
        %parallel_loop3A_221 = arith.extui %parallel_loop3A_220 : i1 to i32
        %parallel_loop3A_222 = arith.subi %parallel_loop3A_218, %parallel_loop3A_221 : i32
        %parallel_loop3A_223 = arith.cmpi ne, %parallel_loop3A_215, %parallel_loop3A_222 : i32
        %parallel_loop3A_224 = arith.remsi %parallel_loop3A_206, %parallel_loop3A_207 : i32
        %parallel_loop3A_225 = arith.constant 0 : i32
        %parallel_loop3A_226 = arith.cmpi ne, %parallel_loop3A_224, %parallel_loop3A_225 : i32
        %parallel_loop3A_227 = arith.andi %parallel_loop3A_223, %parallel_loop3A_226 : i1
        %parallel_loop3A_228 = arith.constant 1 : i32
        %parallel_loop3A_229 = arith.subi %parallel_loop3A_208, %parallel_loop3A_228 : i32
        %parallel_loop3A_230 = arith.select %parallel_loop3A_227, %parallel_loop3A_229, %parallel_loop3A_208 : i32
        %parallel_loop3A_231 = arith.constant 64 : i32
        %parallel_loop3A_232 = arith.constant 0 : i32
        %parallel_loop3A_233 = arith.cmpi eq, %parallel_loop3A_231, %parallel_loop3A_232 : i32
        %parallel_loop3A_234 = arith.constant 1 : i32
        %parallel_loop3A_235 = arith.select %parallel_loop3A_233, %parallel_loop3A_234, %parallel_loop3A_231 : i32
        %parallel_loop3A_236 = arith.remsi %parallel_loop3A_206, %parallel_loop3A_235 : i32
        %parallel_loop3A_237 = arith.constant 0 : i32
        %parallel_loop3A_238 = arith.cmpi ne, %parallel_loop3A_236, %parallel_loop3A_237 : i32
        %parallel_loop3A_239 = arith.constant 0 : i32
        %parallel_loop3A_240 = arith.cmpi slt, %parallel_loop3A_236, %parallel_loop3A_239 : i32
        %parallel_loop3A_241 = arith.constant 0 : i32
        %parallel_loop3A_242 = arith.cmpi slt, %parallel_loop3A_235, %parallel_loop3A_241 : i32
        %parallel_loop3A_243 = arith.xori %parallel_loop3A_240, %parallel_loop3A_242 : i1
        %parallel_loop3A_244 = arith.andi %parallel_loop3A_243, %parallel_loop3A_238 : i1
        %parallel_loop3A_245 = arith.addi %parallel_loop3A_236, %parallel_loop3A_235 : i32
        %parallel_loop3A_246 = arith.select %parallel_loop3A_244, %parallel_loop3A_245, %parallel_loop3A_236 : i32
        %parallel_loop3A_247 = arith.constant 16 : i32
        %parallel_loop3A_248 = arith.muli %parallel_loop3A_246, %parallel_loop3A_247 : i32
        %parallel_loop3A_249 = arith.constant 1 : i32
        %parallel_loop3A_250 = arith.index_cast %parallel_loop3A_249 : i32 to index
        %parallel_loop3A_251 = arith.index_cast %parallel_loop3A_230 : i32 to index
        %parallel_loop3A_252 = arith.index_cast %parallel_loop3A_248 : i32 to index
        %parallel_loop3A_253 = tpu.vector_load %arg7[%parallel_loop3A_250, %parallel_loop3A_251, %parallel_loop3A_252] {strides = array<i32>} : memref<2x4x1024xf32, #tpu.memory_space<vmem>>, vector<1x1x16xf32>,
        %parallel_loop3A_254 = vector.shape_cast %parallel_loop3A_253 : vector<1x1x16xf32> to vector<16xf32>
        %parallel_loop3A_255 = arith.constant 1 : i32
        %parallel_loop3A_256 = arith.constant 0 : i32
        %parallel_loop3A_257 = arith.index_cast %parallel_loop3A_255 : i32 to index
        %parallel_loop3A_258 = arith.index_cast %parallel_loop3A_256 : i32 to index
        %parallel_loop3A_259 = arith.index_cast %parallel_loop3A_230 : i32 to index
        %parallel_loop3A_260 = arith.index_cast %parallel_loop3A_248 : i32 to index
        %parallel_loop3A_261 = tpu.vector_load %arg5[%parallel_loop3A_257, %parallel_loop3A_258, %parallel_loop3A_259, %parallel_loop3A_260] {strides = array<i32>} : memref<2x4x4x1024xf32, #tpu.memory_space<vmem>>, vector<1x1x1x16xf32>,
        %parallel_loop3A_262 = vector.shape_cast %parallel_loop3A_261 : vector<1x1x1x16xf32> to vector<16xf32>
        %parallel_loop3A_263 = arith.addf %parallel_loop3A_262, %parallel_loop3A_254 : vector<16xf32>
        %parallel_loop3A_264 = arith.constant 1 : i32
        %parallel_loop3A_265 = arith.constant 0 : i32
        %parallel_loop3A_266 = arith.index_cast %parallel_loop3A_264 : i32 to index
        %parallel_loop3A_267 = arith.index_cast %parallel_loop3A_265 : i32 to index
        %parallel_loop3A_268 = arith.index_cast %parallel_loop3A_230 : i32 to index
        %parallel_loop3A_269 = arith.index_cast %parallel_loop3A_248 : i32 to index
        %parallel_loop3A_270 = tpu.vector_load %arg6[%parallel_loop3A_266, %parallel_loop3A_267, %parallel_loop3A_268, %parallel_loop3A_269] {strides = array<i32>} : memref<2x4x4x1024xf32, #tpu.memory_space<vmem>>, vector<1x1x1x16xf32>,
        %parallel_loop3A_271 = vector.shape_cast %parallel_loop3A_270 : vector<1x1x1x16xf32> to vector<16xf32>
        %parallel_loop3A_272 = vector.shape_cast %parallel_loop3A_263 : vector<16xf32> to vector<1x1x1x16xf32>
        tpu.vector_store %arg6[%parallel_loop3A_266, %parallel_loop3A_267, %parallel_loop3A_268, %parallel_loop3A_269], %parallel_loop3A_272 {strides = array<i32>} : memref<2x4x4x1024xf32, #tpu.memory_space<vmem>>, vector<1x1x1x16xf32>,
        %parallel_loop3A_273 = arith.constant 1 : i32
        %parallel_loop3A_274 = arith.constant 1 : i32
        %parallel_loop3A_275 = arith.index_cast %parallel_loop3A_273 : i32 to index
        %parallel_loop3A_276 = arith.index_cast %parallel_loop3A_274 : i32 to index
        %parallel_loop3A_277 = arith.index_cast %parallel_loop3A_230 : i32 to index
        %parallel_loop3A_278 = arith.index_cast %parallel_loop3A_248 : i32 to index
        %parallel_loop3A_279 = tpu.vector_load %arg5[%parallel_loop3A_275, %parallel_loop3A_276, %parallel_loop3A_277, %parallel_loop3A_278] {strides = array<i32>} : memref<2x4x4x1024xf32, #tpu.memory_space<vmem>>, vector<1x1x1x16xf32>,
        %parallel_loop3A_280 = vector.shape_cast %parallel_loop3A_279 : vector<1x1x1x16xf32> to vector<16xf32>
        %parallel_loop3A_281 = arith.addf %parallel_loop3A_280, %parallel_loop3A_254 : vector<16xf32>
        %parallel_loop3A_282 = arith.constant 1 : i32
        %parallel_loop3A_283 = arith.constant 1 : i32
        %parallel_loop3A_284 = arith.index_cast %parallel_loop3A_282 : i32 to index
        %parallel_loop3A_285 = arith.index_cast %parallel_loop3A_283 : i32 to index
        %parallel_loop3A_286 = arith.index_cast %parallel_loop3A_230 : i32 to index
        %parallel_loop3A_287 = arith.index_cast %parallel_loop3A_248 : i32 to index
        %parallel_loop3A_288 = tpu.vector_load %arg6[%parallel_loop3A_284, %parallel_loop3A_285, %parallel_loop3A_286, %parallel_loop3A_287] {strides = array<i32>} : memref<2x4x4x1024xf32, #tpu.memory_space<vmem>>, vector<1x1x1x16xf32>,
        %parallel_loop3A_289 = vector.shape_cast %parallel_loop3A_288 : vector<1x1x1x16xf32> to vector<16xf32>
        %parallel_loop3A_290 = vector.shape_cast %parallel_loop3A_281 : vector<16xf32> to vector<1x1x1x16xf32>
        tpu.vector_store %arg6[%parallel_loop3A_284, %parallel_loop3A_285, %parallel_loop3A_286, %parallel_loop3A_287], %parallel_loop3A_290 {strides = array<i32>} : memref<2x4x4x1024xf32, #tpu.memory_space<vmem>>, vector<1x1x1x16xf32>,
        %parallel_loop3A_291 = arith.constant 1 : i32
        %parallel_loop3A_292 = arith.constant 2 : i32
        %parallel_loop3A_293 = arith.index_cast %parallel_loop3A_291 : i32 to index
        %parallel_loop3A_294 = arith.index_cast %parallel_loop3A_292 : i32 to index
        %parallel_loop3A_295 = arith.index_cast %parallel_loop3A_230 : i32 to index
        %parallel_loop3A_296 = arith.index_cast %parallel_loop3A_248 : i32 to index
        %parallel_loop3A_297 = tpu.vector_load %arg5[%parallel_loop3A_293, %parallel_loop3A_294, %parallel_loop3A_295, %parallel_loop3A_296] {strides = array<i32>} : memref<2x4x4x1024xf32, #tpu.memory_space<vmem>>, vector<1x1x1x16xf32>,
        %parallel_loop3A_298 = vector.shape_cast %parallel_loop3A_297 : vector<1x1x1x16xf32> to vector<16xf32>
        %parallel_loop3A_299 = arith.addf %parallel_loop3A_298, %parallel_loop3A_254 : vector<16xf32>
        %parallel_loop3A_300 = arith.constant 1 : i32
        %parallel_loop3A_301 = arith.constant 2 : i32
        %parallel_loop3A_302 = arith.index_cast %parallel_loop3A_300 : i32 to index
        %parallel_loop3A_303 = arith.index_cast %parallel_loop3A_301 : i32 to index
        %parallel_loop3A_304 = arith.index_cast %parallel_loop3A_230 : i32 to index
        %parallel_loop3A_305 = arith.index_cast %parallel_loop3A_248 : i32 to index
        %parallel_loop3A_306 = tpu.vector_load %arg6[%parallel_loop3A_302, %parallel_loop3A_303, %parallel_loop3A_304, %parallel_loop3A_305] {strides = array<i32>} : memref<2x4x4x1024xf32, #tpu.memory_space<vmem>>, vector<1x1x1x16xf32>,
        %parallel_loop3A_307 = vector.shape_cast %parallel_loop3A_306 : vector<1x1x1x16xf32> to vector<16xf32>
        %parallel_loop3A_308 = vector.shape_cast %parallel_loop3A_299 : vector<16xf32> to vector<1x1x1x16xf32>
        tpu.vector_store %arg6[%parallel_loop3A_302, %parallel_loop3A_303, %parallel_loop3A_304, %parallel_loop3A_305], %parallel_loop3A_308 {strides = array<i32>} : memref<2x4x4x1024xf32, #tpu.memory_space<vmem>>, vector<1x1x1x16xf32>,
        %parallel_loop3A_309 = arith.constant 1 : i32
        %parallel_loop3A_310 = arith.constant 3 : i32
        %parallel_loop3A_311 = arith.index_cast %parallel_loop3A_309 : i32 to index
        %parallel_loop3A_312 = arith.index_cast %parallel_loop3A_310 : i32 to index
        %parallel_loop3A_313 = arith.index_cast %parallel_loop3A_230 : i32 to index
        %parallel_loop3A_314 = arith.index_cast %parallel_loop3A_248 : i32 to index
        %parallel_loop3A_315 = tpu.vector_load %arg5[%parallel_loop3A_311, %parallel_loop3A_312, %parallel_loop3A_313, %parallel_loop3A_314] {strides = array<i32>} : memref<2x4x4x1024xf32, #tpu.memory_space<vmem>>, vector<1x1x1x16xf32>,
        %parallel_loop3A_316 = vector.shape_cast %parallel_loop3A_315 : vector<1x1x1x16xf32> to vector<16xf32>
        %parallel_loop3A_317 = arith.addf %parallel_loop3A_316, %parallel_loop3A_254 : vector<16xf32>
        %parallel_loop3A_318 = arith.constant 1 : i32
        %parallel_loop3A_319 = arith.constant 3 : i32
        %parallel_loop3A_320 = arith.index_cast %parallel_loop3A_318 : i32 to index
        %parallel_loop3A_321 = arith.index_cast %parallel_loop3A_319 : i32 to index
        %parallel_loop3A_322 = arith.index_cast %parallel_loop3A_230 : i32 to index
        %parallel_loop3A_323 = arith.index_cast %parallel_loop3A_248 : i32 to index
        %parallel_loop3A_324 = tpu.vector_load %arg6[%parallel_loop3A_320, %parallel_loop3A_321, %parallel_loop3A_322, %parallel_loop3A_323] {strides = array<i32>} : memref<2x4x4x1024xf32, #tpu.memory_space<vmem>>, vector<1x1x1x16xf32>,
        %parallel_loop3A_325 = vector.shape_cast %parallel_loop3A_324 : vector<1x1x1x16xf32> to vector<16xf32>
        %parallel_loop3A_326 = vector.shape_cast %parallel_loop3A_317 : vector<16xf32> to vector<1x1x1x16xf32>
        tpu.vector_store %arg6[%parallel_loop3A_320, %parallel_loop3A_321, %parallel_loop3A_322, %parallel_loop3A_323], %parallel_loop3A_326 {strides = array<i32>} : memref<2x4x4x1024xf32, #tpu.memory_space<vmem>>, vector<1x1x1x16xf32>,
      } {sc.loop_unroll_factor = 8 : i64, sc.parallel_access}
      %mul3A_186 = arith.constant 4 : i32
      %mul3A_187 = arith.muli %add3A_140, %mul3A_186 : i32
      %add3A_188 = arith.addi %mul3A_2, %mul3A_187 : i32
      %dma_start3A_189 = arith.constant 1 : i32
      %dma_start3A_190 = arith.constant 0 : i32
      %dma_start3A_191 = arith.constant 0 : i32
      %dma_start3A_192 = arith.constant 0 : i32
      %dma_start3A_193 = tpu.memref_slice %arg6[%dma_start3A_189, %dma_start3A_190, %dma_start3A_191, %dma_start3A_192] : memref<2x4x4x1024xf32, #tpu.memory_space<vmem>> -> memref<1x4x4x1024xf32, #tpu.memory_space<vmem>>
      %dma_start3A_194 = tpu.memref_squeeze %dma_start3A_193 : memref<1x4x4x1024xf32, #tpu.memory_space<vmem>> -> memref<4x4x1024xf32, #tpu.memory_space<vmem>>
      %dma_start3A_195 = arith.constant 0 : i32
      %dma_start3A_196 = arith.constant 0 : i32
      %dma_start3A_197 = tpu.memref_slice %arg4[%dma_start3A_195, %add3A_188, %dma_start3A_196] : memref<4x2048x1024xf32, #tpu.memory_space<hbm>> -> memref<4x4x1024xf32, #tpu.memory_space<hbm>>
      %dma_start3A_198 = arith.constant 0 : i32
      %dma_start3A_199 = arith.constant 0 : i32
      %dma_start3A_200 = tpu.memref_slice %arg4[%dma_start3A_198, %add3A_188, %dma_start3A_199] : memref<4x2048x1024xf32, #tpu.memory_space<hbm>> -> memref<4x4x1024xf32, #tpu.memory_space<hbm>>
      %dma_start3A_201 = arith.constant 0 : i32
      %dma_start3A_202 = arith.constant 0 : i32
      %dma_start3A_203 = arith.constant 0 : i32
      %dma_start3A_204 = tpu.memref_slice %arg6[%dma_start3A_189, %dma_start3A_201, %dma_start3A_202, %dma_start3A_203] : memref<2x4x4x1024xf32, #tpu.memory_space<vmem>> -> memref<1x4x4x1024xf32, #tpu.memory_space<vmem>>
      %dma_start3A_205 = tpu.memref_squeeze %dma_start3A_204 : memref<1x4x4x1024xf32, #tpu.memory_space<vmem>> -> memref<4x4x1024xf32, #tpu.memory_space<vmem>>
      tpu.enqueue_dma source(%dma_start3A_205 : memref<4x4x1024xf32, #tpu.memory_space<vmem>>) target(%dma_start3A_200 : memref<4x4x1024xf32, #tpu.memory_space<hbm>>) target_semaphore(%arg13 : memref<!tpu.dma_semaphore, #tpu.memory_space<semaphore_mem>>)
    }
    %scan3A_38 = arith.constant 8 : i32
    %dma_wait3A = arith.constant 0 : i32
    %dma_wait3A_39 = arith.constant 0 : i32
    %dma_wait3A_40 = arith.constant 0 : i32
    %dma_wait3A_41 = arith.constant 0 : i32
    %dma_wait3A_42 = tpu.memref_slice %arg6[%dma_wait3A, %dma_wait3A_39, %dma_wait3A_40, %dma_wait3A_41] : memref<2x4x4x1024xf32, #tpu.memory_space<vmem>> -> memref<1x4x4x1024xf32, #tpu.memory_space<vmem>>
    %dma_wait3A_43 = tpu.memref_squeeze %dma_wait3A_42 : memref<1x4x4x1024xf32, #tpu.memory_space<vmem>> -> memref<4x4x1024xf32, #tpu.memory_space<vmem>>
    %dma_wait3A_44 = arith.constant 0 : i32
    %dma_wait3A_45 = arith.constant 0 : i32
    %dma_wait3A_46 = tpu.memref_slice %arg4[%dma_wait3A_44, %mul3A_2, %dma_wait3A_45] : memref<4x2048x1024xf32, #tpu.memory_space<hbm>> -> memref<4x4x1024xf32, #tpu.memory_space<hbm>>
    %dma_wait3A_47 = arith.constant 0 : i32
    %dma_wait3A_48 = arith.constant 0 : i32
    %dma_wait3A_49 = tpu.memref_slice %arg4[%dma_wait3A_47, %mul3A_2, %dma_wait3A_48] : memref<4x2048x1024xf32, #tpu.memory_space<hbm>> -> memref<4x4x1024xf32, #tpu.memory_space<hbm>>
    %dma_wait3A_50 = arith.constant 0 : i32
    %dma_wait3A_51 = arith.constant 0 : i32
    %dma_wait3A_52 = arith.constant 0 : i32
    %dma_wait3A_53 = tpu.memref_slice %arg6[%dma_wait3A, %dma_wait3A_50, %dma_wait3A_51, %dma_wait3A_52] : memref<2x4x4x1024xf32, #tpu.memory_space<vmem>> -> memref<1x4x4x1024xf32, #tpu.memory_space<vmem>>
    %dma_wait3A_54 = tpu.memref_squeeze %dma_wait3A_53 : memref<1x4x4x1024xf32, #tpu.memory_space<vmem>> -> memref<4x4x1024xf32, #tpu.memory_space<vmem>>
    tpu.wait_dma2 semaphore(%arg12 : memref<!tpu.dma_semaphore, #tpu.memory_space<semaphore_mem>>) src(%dma_wait3A_54 : memref<4x4x1024xf32, #tpu.memory_space<vmem>>) dst(%dma_wait3A_49 : memref<4x4x1024xf32, #tpu.memory_space<hbm>>)
    %dma_wait3A_55 = arith.constant 1 : i32
    %dma_wait3A_56 = arith.constant 0 : i32
    %dma_wait3A_57 = arith.constant 0 : i32
    %dma_wait3A_58 = arith.constant 0 : i32
    %dma_wait3A_59 = tpu.memref_slice %arg6[%dma_wait3A_55, %dma_wait3A_56, %dma_wait3A_57, %dma_wait3A_58] : memref<2x4x4x1024xf32, #tpu.memory_space<vmem>> -> memref<1x4x4x1024xf32, #tpu.memory_space<vmem>>
    %dma_wait3A_60 = tpu.memref_squeeze %dma_wait3A_59 : memref<1x4x4x1024xf32, #tpu.memory_space<vmem>> -> memref<4x4x1024xf32, #tpu.memory_space<vmem>>
    %dma_wait3A_61 = arith.constant 0 : i32
    %dma_wait3A_62 = arith.constant 0 : i32
    %dma_wait3A_63 = tpu.memref_slice %arg4[%dma_wait3A_61, %mul3A_2, %dma_wait3A_62] : memref<4x2048x1024xf32, #tpu.memory_space<hbm>> -> memref<4x4x1024xf32, #tpu.memory_space<hbm>>
    %dma_wait3A_64 = arith.constant 0 : i32
    %dma_wait3A_65 = arith.constant 0 : i32
    %dma_wait3A_66 = tpu.memref_slice %arg4[%dma_wait3A_64, %mul3A_2, %dma_wait3A_65] : memref<4x2048x1024xf32, #tpu.memory_space<hbm>> -> memref<4x4x1024xf32, #tpu.memory_space<hbm>>
    %dma_wait3A_67 = arith.constant 0 : i32
    %dma_wait3A_68 = arith.constant 0 : i32
    %dma_wait3A_69 = arith.constant 0 : i32
    %dma_wait3A_70 = tpu.memref_slice %arg6[%dma_wait3A_55, %dma_wait3A_67, %dma_wait3A_68, %dma_wait3A_69] : memref<2x4x4x1024xf32, #tpu.memory_space<vmem>> -> memref<1x4x4x1024xf32, #tpu.memory_space<vmem>>
    %dma_wait3A_71 = tpu.memref_squeeze %dma_wait3A_70 : memref<1x4x4x1024xf32, #tpu.memory_space<vmem>> -> memref<4x4x1024xf32, #tpu.memory_space<vmem>>
    tpu.wait_dma2 semaphore(%arg13 : memref<!tpu.dma_semaphore, #tpu.memory_space<semaphore_mem>>) src(%dma_wait3A_71 : memref<4x4x1024xf32, #tpu.memory_space<vmem>>) dst(%dma_wait3A_66 : memref<4x4x1024xf32, #tpu.memory_space<hbm>>)
    return
  }
}

</mosaic_0001>

<sc_bundles>
// kernel: kernel.3.cloned.1.call-start
scs
__scs_entry_jumppad:
0x0: {  	(pc) =	sbr.rel $0x88, $3  }
0x1: {  	(tag) =	ssettag $0x0;
	lr =	simm.s32 $0x1  }
0x2: {  	[smem:$0x3F9F] =	sst lr;
	_ =	strace $0xD0000000  }
0x3: {  	_ = 	snop  }
0x4: {  	_ = 	snop  }
0x5: {  	_ = 	snop  }
0x6: {  	_ = 	snop  }
0x7: {  	_ = 	snop  }
__scs_overlays_trampoline_lowered:
0x8: {  	[smem:$0x3FAE] =	sst s0  }
0x9: {  	[smem:$0x3FAF] =	sst s1  }
0xa: {  	[smem:$0x3FB0] =	sst s2  }
0xb: {  	[smem:$0x3FB1] =	sst s3  }
0xc: {  	[smem:$0x3FB2] =	sst s4  }
0xd: {  	[smem:$0x3FB3] =	sst s5  }
0xe: {  	[smem:$0x3FB4] =	sst s6  }
0xf: {  	[smem:$0x3FB5] =	sst s7  }
0x10: {  	[smem:$0x3FB6] =	sst s8  }
0x11: {  	[smem:$0x3FB7] =	sst s9;
	s0 =	simm.s32 @!p0 $0x0  }
0x12: {  	s1 =	sld [smem:$0x3F9D];
	s0 =	simm.s32 @p0 $0x1  }
0x13: {  	[smem:$0x3FB8] =	sst s0;
	s0 =	simm.s32 @!p1 $0x0  }
0x14: {  	s2 =	sld [smem:$0x3F9C];
	s0 =	simm.s32 @p1 $0x1  }
0x15: {  	[smem:$0x3FB9] =	sst s0;
	s0 =	simm.s32 @!p2 $0x0  }
0x16: {  	s3 =	sld [smem:$0x3FDB];
	s0 =	simm.s32 @p2 $0x1  }
0x17: {  	s4 =	simm.s32 $0x1BF5;
	[smem:$0x3FBB] =	sst s0  }
0x18: {  	s0 =	sld [smem:$0x3F9E];
	_ =	swait.ge [sflag:s4], $0x0  }
0x19: {  	s7 =	sld [smem:$0x3F9F]  }
0x1a: {  	s8 =	sadd.s32 $0xFFFFE003, lr  }
0x1b: {  	s9 =	sadd.s32 $0xFFFFFEF7, lr;
	s5 =	simm.s32 $0xFFFFFFFF;
	p2 =	slt.u32 s8, $0xFFFFF086  }
0x1c: {  	p1 =	slt.u32 s9, $0xF7A;
	s5 =	simm.s32 @!p2 $0x0  }
0x1d: {  	s5 =	simm.s32 @p1 $0x1;
	p0 =	seq.s32 s7, s2  }
0x1e: {  	s7 =	smul.u32 @!p0 $0xF7A, s2;
	p2 =	seq.s32 @!p0 s5, $0x0  }
0x1f: {  	s9 =	smul.u32 $0xF7A, s1;
	s8 =	simm.s32 @!p0 $0x1BF5;
	p2 =	por !p2, p0  }
0x20: {  	[sflag:s8] =	ssyncset.s32 @!p0 $0xFFFFF086;
	s6 =	sadd.s32 @!p0 s3, s7;
	s7 =	simm.s32 @!p0 $0x108  }
0x21: {  	s3 =	sadd.s32 s3, s9;
	s6 =	sadd.s32 @!p0 $0x88, s6;
	s7 =	simm.s32 @p2 $0x1082  }
0x22: {  	[simem:s7], [sflag:s8] =	dma.local @!p0 [hbm:s6], $0xF7A  }
0x23: {  	s9 =	sor.u32 $0xD0000000, s2;
	s6 =	simm.s32 $0x108;
	_ =	swait.ge @!p0 [sflag:s8], $0x0  }
0x24: {  	s3 =	sadd.s32 $0x88, s3;
	s6 =	simm.s32 @!p1 $0x1082;
	[sflag:s4] =	ssyncset.s32 $0xFFFFF086  }
0x25: {  	[simem:s6], [sflag:s4] =	dma.local [hbm:s3], $0xF7A  }
0x26: {  	[smem:$0x3F9F] =	sst s1;
	(tag) =	ssettag s2;
	_ =	strace s9  }
0x27: {  	s1 =	sld [smem:$0x3FAF]  }
0x28: {  	s2 =	sld [smem:$0x3FB0]  }
0x29: {  	s4 =	sld [smem:$0x3FB2]  }
0x2a: {  	p0 =	seq.s32 s5, $0x0;
	s5 =	sld [smem:$0x3FB3]  }
0x2b: {  	s6 =	sld [smem:$0x3FB4]  }
0x2c: {  	s7 =	sld [smem:$0x3FB5]  }
0x2d: {  	s3 =	simm.s32 $0x108;
	s8 =	sld [smem:$0x3FB6]  }
0x2e: {  	s3 =	simm.s32 @!p0 $0x1082;
	s9 =	sld [smem:$0x3FB7]  }
0x2f: {  	lr =	sadd.s32 s0, s3;
	s0 =	sld [smem:$0x3FAE]  }
0x30: {  	s3 =	sld [smem:$0x3FB1]  }
0x31: {  	[smem:$0x3FBA] =	sst s10  }
0x32: {  	s10 =	sld [smem:$0x3FB8];
	_ =	sdelay $0x3  }
0x33: {  	p0 =	seq.s32 s10, $0x1;
	s10 =	sld [smem:$0x3FBA];
	_ =	sdelay $0x3  }
0x34: {  	[smem:$0x3FBA] =	sst s10  }
0x35: {  	s10 =	sld [smem:$0x3FB9];
	_ =	sdelay $0x3  }
0x36: {  	p1 =	seq.s32 s10, $0x1;
	s10 =	sld [smem:$0x3FBA];
	_ =	sdelay $0x3  }
0x37: {  	[smem:$0x3FBA] =	sst s10  }
0x38: {  	s10 =	sld [smem:$0x3FBB]  }
0x39: {  	_ = 	snop;
	(pc) =	sbr.ind lr, $3  }
0x3a: {  	_ = 	snop  }
0x3b: {  	_ = 	snop  }
0x3c: {  	p2 =	seq.s32 s10, $0x1;
	s10 =	sld [smem:$0x3FBA]  }
0x3d: {  	_ =	shalt  }
0x3e: {  	_ =	shalt  }
0x3f: {  	_ =	shalt  }
0x40: {  	_ =	shalt  }
0x41: {  	_ =	shalt  }
0x42: {  	_ =	shalt  }
0x43: {  	_ =	shalt  }
0x44: {  	_ =	shalt  }
0x45: {  	_ =	shalt  }
0x46: {  	_ =	shalt  }
0x47: {  	_ =	shalt  }
0x48: {  	_ =	shalt  }
0x49: {  	_ =	shalt  }
0x4a: {  	_ =	shalt  }
0x4b: {  	_ =	shalt  }
0x4c: {  	_ =	shalt  }
0x4d: {  	_ =	shalt  }
0x4e: {  	_ =	shalt  }
0x4f: {  	_ =	shalt  }
0x50: {  	_ =	shalt  }
0x51: {  	_ =	shalt  }
0x52: {  	_ =	shalt  }
0x53: {  	_ =	shalt  }
0x54: {  	_ =	shalt  }
0x55: {  	_ =	shalt  }
0x56: {  	_ =	shalt  }
0x57: {  	_ =	shalt  }
0x58: {  	_ =	shalt  }
0x59: {  	_ =	shalt  }
0x5a: {  	_ =	shalt  }
0x5b: {  	_ =	shalt  }
0x5c: {  	_ =	shalt  }
0x5d: {  	_ =	shalt  }
0x5e: {  	_ =	shalt  }
0x5f: {  	_ =	shalt  }
0x60: {  	_ =	shalt  }
0x61: {  	_ =	shalt  }
0x62: {  	_ =	shalt  }
0x63: {  	_ =	shalt  }
0x64: {  	_ =	shalt  }
0x65: {  	_ =	shalt  }
0x66: {  	_ =	shalt  }
0x67: {  	_ =	shalt  }
0x68: {  	_ =	shalt  }
0x69: {  	_ =	shalt  }
0x6a: {  	_ =	shalt  }
0x6b: {  	_ =	shalt  }
0x6c: {  	_ =	shalt  }
0x6d: {  	_ =	shalt  }
0x6e: {  	_ =	shalt  }
0x6f: {  	_ =	shalt  }
0x70: {  	_ =	shalt  }
0x71: {  	_ =	shalt  }
0x72: {  	_ =	shalt  }
0x73: {  	_ =	shalt  }
0x74: {  	_ =	shalt  }
0x75: {  	_ =	shalt  }
0x76: {  	_ =	shalt  }
0x77: {  	_ =	shalt  }
0x78: {  	_ =	shalt  }
0x79: {  	_ =	shalt  }
0x7a: {  	_ =	shalt  }
0x7b: {  	_ =	shalt  }
0x7c: {  	_ =	shalt  }
0x7d: {  	_ =	shalt  }
0x7e: {  	_ =	shalt  }
0x7f: {  	_ =	shalt  }
0x80: {  	_ =	shalt  }
0x81: {  	_ =	shalt  }
0x82: {  	_ =	shalt  }
0x83: {  	_ =	shalt  }
0x84: {  	_ =	shalt  }
0x85: {  	_ =	shalt  }
0x86: {  	_ =	shalt  }
0x87: {  	_ =	shalt  }
.Lfunc_end0:
.L_simem_size_0:
called_computation_lowered:
.L_overlay_start_0:
0x88: {  	s2 =	sld [smem:$0x3FD9]  }
0x89: {  	s3 =	sld [smem:$0x3FFE];
	_ =	sdelay $0x1  }
0x8a: {  	s1 =	srdreg.scid  }
0x8b: {  	s0 =	sand.u32 $0x1, s1  }
0x8c: {  	s18 =	sshll.u32 s0, $0xA;
	s2 =	sadd.s32 s3, s2  }
0x8d: {  	s2 =	sadd.s32 s2, s18  }
0x8e: {  	[smem:$0x3FC6] =	sst s2  }
0x8f: {  	_ = 	snop  }
0x90: {  	s2 =	sld [smem:$0x3FC9]  }
0x91: {  	s19 =	sld [smem:$0x3FC8]  }
0x92: {  	s4 =	sld [smem:$0x3FD0];
	(tm) =	ssettm $0x1  }
0x93: {  	s5 =	sld [smem:$0x3FFB];
	_ =	sdelay $0x3  }
0x94: {  	_ =	strace s5  }
0x95: {  	s5 =	sld [smem:$0x3FFC];
	_ =	sdelay $0x3  }
0x96: {  	_ =	strace s5  }
0x97: {  	s5 =	sld [smem:$0x3FFD];
	_ =	sdelay $0x3  }
0x98: {  	_ =	strace s5  }
0x99: {  	_ =	strace $0x8FFFFFFF  }
0x9a: {  	s20 =	sld [smem:$0x3FDB];
	_ =	sdelay $0x1  }
0x9b: {  	s6 =	simm.s32 $_scs_section_size  }
0x9c: {  	s7 =	simm.s32 $_size__tile_overlayer_lowered;
	s8 =	simm.s32 $_tile_overlayer_lowered  }
0x9d: {  	s23 =	simm.s32 $0x1BFF;
	s22 =	sshll.u32 s8, $0x1;
	s5 =	sadd.s32 s6, s20  }
0x9e: {  	s9 =	simm.s32 $0x0;
	s21 =	sshll.u32 s7, $0x1;
	s7 =	sadd.s32 s22, s5  }
0x9f: {  	[timem:s9], [sflag:s23] =	dma.local [hbm:s7], s21  }
0xa0: {  	_ =	swait.ge [sflag:s23], s21  }
0xa1: {  	s6 =	ssub.s32 $0x0, s21;
	[sflag:s23] =	ssyncset.done $0x0  }
0xa2: {  	[sflag:s23] =	ssyncadd.s32 s6;
	_ =	sdelay $0x1  }
0xa3: {  	s24 =	simm.s32 $0x1B8B  }
0xa4: {  	_ =	swait.ge [sflag:s24], $0x1  }
0xa5: {  	[sflag:s24] =	ssyncset.done $0x0  }
0xa6: {  	s25 =	simm.s32 $0x1B8E;
	[sflag:s24] =	ssyncadd.s32 $0xFFFFFFFF  }
0xa7: {  	s26 =	simm.s32 $execute0_lowered;
	[smem:$0x3FD2] =	sst s25  }
0xa8: {  	s6 =	sshll.u32 s26, $0x1;
	_ =	strace $0x80000046;
	[dreg:$0x1] =	wrdreg $0xFFFFFFFF  }
0xa9: {  	s28 =	simm.s32 $_size_execute0_lowered;
	s5 =	sadd.s32 s5, s6;
	[dreg:$0x0] =	wrdreg $0x0  }
0xaa: {  	s6 =	sshll.u32 s28, $0x1;
	[dreg:$0x2] =	wrdreg s5  }
0xab: {  	[dreg:$0x3] =	wrdreg s6  }
0xac: {  	[dreg:$0x4] =	wrdreg $0xC0  }
0xad: {  	_ =	task [dreg:s9], $0x5FFFF  }
0xae: {  	[dreg:$0x1] =	wrdreg $0xFFFFFFFF  }
0xaf: {  	[dreg:$0x0] =	wrdreg $0x60  }
0xb0: {  	[dreg:$0x2] =	wrdreg s2  }
0xb1: {  	[dreg:$0x3] =	wrdreg s19  }
0xb2: {  	[dreg:$0x4] =	wrdreg s4  }
0xb3: {  	[dreg:$0x5] =	wrdreg $0x9  }
0xb4: {  	_ =	task.clear_ibuf [dreg:s9], $0x6FFFF;
	_ =	strace $0x90000046  }
0xb5: {  	s29 =	simm.s32 $0x9;
	_ =	strace $0x80000048  }
0xb6: {  	_ =	swait.ge [sflag:s29], $0x1  }
0xb7: {  	[sflag:s29] =	ssyncadd.s32 $0xFFFFFFFF  }
0xb8: {  	_ =	strace $0x90000048  }
0xb9: {  	_ =	sfence  }
0xba: {  	s30 =	sld [smem:$0x0];
	_ =	sdelay $0x2  }
0xbb: {  	s31 =	sshll.u32 s1, $0xD;
	s1 =	sshrl.u32 s1, $0x2  }
0xbc: {  	s3 =	sand.u32 $0x4000, s31;
	s1 =	sadd.s32 s1, s30  }
0xbd: {  	s0 =	sor.u32 s3, s0;
	s1 =	sshll.u32 s1, $0x11  }
0xbe: {  	s0 =	sor.u32 s1, s0  }
0xbf: {  	s0 =	sadd.s32 $0x8F2B, s0  }
0xc0: {  	[sflag:s0] =	ssyncadd.remote.s32 $0x1  }
0xc1: {  	_ =	sfence.sel $0xFFFF  }
0xc2: {  	[dreg:$0x0] =	wrdreg $0xFFFFFFFF;
	(pc) =	sbr.abs _section_cstart, $3  }
0xc3: {  	[dreg:$0x1] =	wrdreg $0xFFFFFFFF  }
0xc4: {  	_ =	task.clear_ibuf [dreg:s9], $0x2FFFF;
	_ =	strace $0x9FFFFFFF  }
0xc5: {  	(tm) =	ssettm $0x7FFFFFFF  }
tec
execute0_lowered:
.L_overlay_start_1:
0x0: {  	(tag) =	ssettag $0x1  }
0x1: {  	s1 =	rddreg [dreg:$0x0]  }
0x2: {  	s3 =	rddreg [dreg:$0x1];
	s0 =	srdreg.scid  }
0x3: {  	s2 =	stileid.u32;
	s4 =	simm.s32 $0x0;
	s0 =	sand.u32 $0x1, s0  }
0x4: {  	s15 =	simm.s32 $0x200;
	s2 =	sshll.u32 s2, $0x7;
	s5 =	sshll.u32 s0, $0x6  }
0x5: {  	[smem:$0x7FF] =	sst s4;
	s0 =	ssub.s32 $0x2, s0;
	s2 =	sor.u32 s5, s2  }
0x6: {  	_ =	strace $0x80000047;
	s6 =	sshll.u32 s2, $0x7;
	s2 =	sshrl.u32 s2, $0x3  }
0x7: {  	s24 =	sshrl.u32 s0, $0x1;
	s3 =	sadd.s32 s3, s6;
	[dreg:$0x6] =	wrdreg s2  }
0x8: {  	s0 =	ssub.s32 s0, s24;
	s25 =	sor.u32 $0x400, s6;
	[dreg:$0x4] =	wrdreg s3  }
0x9: {  	s16 =	simm.s32 $0x400;
	s0 =	smax.u32 s0, $0x1;
	[dreg:$0x7] =	wrdreg s25  }
0xa: {  	s14 =	smov.u32 s1;
	s1 =	sadd.s32 s1, s6;
	[dreg:$0x8] =	wrdreg s0  }
0xb: {  	s28 =	simm.s32 $0x1;
	s31 =	sor.u32 $0x40, s6;
	[dreg:$0x5] =	wrdreg s1  }
0xc: {  	s17 =	simm.s32 $0x2;
	s26 =	sadd.s32 $0x40000, s1;
	[dreg:$0xc] =	wrdreg s31  }
0xd: {  	s10 =	simm.s32 $0x6;
	s29 =	sadd.s32 $0x80000, s1;
	[dreg:$0x9] =	wrdreg s26  }
0xe: {  	s2 =	simm.s32 $0x4;
	s30 =	sadd.s32 $0xC0000, s1;
	[dreg:$0xa] =	wrdreg s29  }
0xf: {  	s1 =	simm.s32 $0x0;
	[dreg:$0xb] =	wrdreg s30;
	s26 =	simm.s32 $0x3  }
.LBB2_1:
0x10: {  	[dreg:$0xd] =	wrdreg s1  }
0x11: {  	s0 =	rddreg [dreg:$0x4];
	s20 =	simm.s32 $0x10000  }
0x12: {  	[tilespmem:s20], [sflag:$0x3] =	stream.strided.gather [hbm4b:s0+s15], $0x1000, s16, s15, $0x38;
	[tilespmem:$0x12000] =	vst v63  }
0x13: {  	s21 =	simm.s32 $0x0;
	s22 =	rddreg [dreg:$0x5]  }
0x14: {  	[tilespmem:s21], [sflag:$0x1] =	stream.strided.gather [hbm4b:s22+s15], $0x1000, s16, s15, $0x38;
	[tilespmem:$0x12000] =	vst v63  }
0x15: {  	s23 =	rddreg [dreg:$0x9];
	s24 =	simm.s32 $0x1000  }
0x16: {  	[tilespmem:s24], [sflag:$0x1] =	stream.strided.gather [hbm4b:s23+s15], $0x1000, s16, s15, $0x38;
	[tilespmem:$0x12000] =	vst v63  }
0x17: {  	s25 =	rddreg [dreg:$0xa];
	s29 =	simm.s32 $0x2000  }
0x18: {  	[tilespmem:s29], [sflag:$0x1] =	stream.strided.gather [hbm4b:s25+s15], $0x1000, s16, s15, $0x38;
	[tilespmem:$0x12000] =	vst v63  }
0x19: {  	s30 =	rddreg [dreg:$0xb];
	s31 =	simm.s32 $0x3000;
	s12 =	simm.s32 $0x0  }
0x1a: {  	[tilespmem:s31], [sflag:$0x1] =	stream.strided.gather [hbm4b:s30+s15], $0x1000, s16, s15, $0x38;
	[tilespmem:$0x12000] =	vst v63  }
.LBB2_2:
0x1b: {  	s7 =	sshll.u32 s12, $0xA;
	s0 =	rddreg [dreg:$0xc]  }
0x1c: {  	s5 =	rddreg [dreg:$0x1];
	s13 =	sor.u32 s0, s7  }
0x1d: {  	s1 =	simm.s32 $0x11000;
	s0 =	sadd.s32 s5, s13  }
0x1e: {  	[tilespmem:s1], [sflag:$0x4] =	stream.strided.gather [hbm4b:s0+s15], $0x1000, s16, s15, $0x38;
	[tilespmem:$0x12000] =	vst v63  }
0x1f: {  	s8 =	simm.s32 $0x4000;
	s6 =	sadd.s32 s14, s13  }
0x20: {  	[tilespmem:s8], [sflag:$0x2] =	stream.strided.gather [hbm4b:s6+s15], $0x1000, s16, s15, $0x38;
	[tilespmem:$0x12000] =	vst v63  }
0x21: {  	s9 =	simm.s32 $0x5000;
	s5 =	sadd.s32 $0x40000, s6  }
0x22: {  	[tilespmem:s9], [sflag:$0x2] =	stream.strided.gather [hbm4b:s5+s15], $0x1000, s16, s15, $0x38;
	[tilespmem:$0x12000] =	vst v63  }
0x23: {  	s18 =	simm.s32 $0x6000;
	s11 =	sadd.s32 $0x80000, s6  }
0x24: {  	[tilespmem:s18], [sflag:$0x2] =	stream.strided.gather [hbm4b:s11+s15], $0x1000, s16, s15, $0x38;
	[tilespmem:$0x12000] =	vst v63  }
0x25: {  	s19 =	simm.s32 $0x7000;
	p0 =	seq.s32 s12, $0x0;
	s0 =	sadd.s32 $0xC0000, s6  }
0x26: {  	[tilespmem:s19], [sflag:$0x2] =	stream.strided.gather [hbm4b:s0+s15], $0x1000, s16, s15, $0x38;
	[tilespmem:$0x12000] =	vst v63  }
0x27: {  	s0 =	simm.s32 @!p0 $0x5  }
0x28: {  	_ =	swait.ge @!p0 [sflag:s0], $0x4000  }
0x29: {  	[sflag:s0] =	ssyncset.done @!p0 $0x0  }
0x2a: {  	[sflag:s0] =	ssyncadd.s32 @!p0 $0xFFFFC000  }
0x2b: {  	_ =	swait.ge [sflag:s26], $0x1000  }
0x2c: {  	s30 =	simm.s32 $0x0;
	[sflag:s26] =	ssyncset.done $0x0  }
0x2d: {  	s20 =	sand.u32 $0x7, s30;
	[sflag:s26] =	ssyncadd.s32 $0xFFFFF000  }
0x2e: {  	s0 =	sshll.u32 s20, $0x9;
	_ =	swait.ge [sflag:s28], $0x4000  }
0x2f: {  	s0 =	sadd.s32 $0x0, s0;
	[sflag:s28] =	ssyncset.done $0x0  }
0x30: {  	s21 =	sor.u32 $0x70, s0;
	[sflag:s28] =	ssyncadd.s32 $0xFFFFC000  }
0x31: {  	v2 =	vld [tilespmem:s21+$0x10000]  }
0x32: {  	v0 =	vld [tilespmem:s21+$0x0];
	_ =	sdelay $0x4  }
0x33: {  	v0 =	vadd.f32 v0, v2;
	_ =	sdelay $0x1  }
0x34: {  	s22 =	sor.u32 $0x1070, s0;
	[tilespmem:s21+$0x8000] =	vst v0  }
0x35: {  	v0 =	vld [tilespmem:s22+$0x0];
	_ =	sdelay $0x4  }
0x36: {  	v0 =	vadd.f32 v0, v2;
	_ =	sdelay $0x1  }
0x37: {  	s0 =	sor.u32 $0x2070, s0;
	[tilespmem:s22+$0x8000] =	vst v0  }
0x38: {  	v0 =	vld [tilespmem:s0+$0x0];
	_ =	sdelay $0x3  }
0x39: {  	s6 =	sand.u32 $0x180, s30;
	s11 =	sand.u32 $0xE00, s30  }
0x3a: {  	s6 =	sor.u32 s6, s11;
	v0 =	vadd.f32 v0, v2  }
0x3b: {  	s23 =	sor.u32 s30, s30;
	v4 =	vld [tilespmem:s6+$0x0]  }
0x3c: {  	s24 =	sor.u32 $0x3070, s23;
	[tilespmem:s0+$0x8000] =	vst v0;
	v0 =	vld [tilespmem:s6+$0x10000]  }
0x3d: {  	v3 =	vld [tilespmem:s24+$0x0]  }
0x3e: {  	v6 =	vld [tilespmem:s6+$0x1000];
	_ =	sdelay $0x1  }
0x3f: {  	v7 =	vld [tilespmem:s6+$0x2000]  }
0x40: {  	v1 =	vld [tilespmem:s6+$0x10010]  }
0x41: {  	s25 =	sand.u32 $0xFFFFFF80, s30;
	v8 =	vadd.f32 v4, v0;
	v2 =	vadd.f32 v3, v2;
	v3 =	vld [tilespmem:s6+$0x10]  }
0x42: {  	s31 =	simm.s32 $0x0;
	s5 =	sadd.s32 $0x0, s25;
	v5 =	vld [tilespmem:s6+$0x1010];
	v6 =	vadd.f32 v6, v0  }
0x43: {  	s29 =	sor.u32 $0x3000, s5;
	s25 =	sor.u32 $0x3010, s5;
	s23 =	sor.u32 $0x3020, s5;
	v4 =	vld [tilespmem:s6+$0x2010];
	[tilespmem:s6+$0x8000] =	vst v8  }
0x44: {  	s18 =	simm.s32 $0x0;
	s11 =	sor.u32 $0x3050, s5;
	s21 =	sor.u32 $0x3060, s5;
	v7 =	vadd.f32 v7, v0;
	[tilespmem:s6+$0x9000] =	vst v6;
	v6 =	vld [tilespmem:s6+$0x20]  }
0x45: {  	s22 =	sor.u32 $0x3040, s5;
	s0 =	simm.s32 $0x1;
	[tilespmem:s24+$0x8000] =	vst v2;
	s24 =	sor.u32 $0x3030, s5;
	v2 =	vld [tilespmem:s6+$0x10020]  }
.LBB2_3:
0x46: {  	s5 =	sand.u32 $0x7, s0;
	[tilespmem:s6+$0xA000] =	vst v7;
	v3 =	vadd.f32 v3, v1;
	v7 =	vld [tilespmem:s6+$0x1020]  }
0x47: {  	s31 =	sadd.s32 $0x8, s31;
	s30 =	sadd.s32 $0x10, s30;
	s5 =	sshll.u32 s5, $0x9;
	v5 =	vadd.f32 v5, v1;
	v8 =	vld [tilespmem:s6+$0x2020]  }
0x48: {  	s19 =	sand.u32 $0x180, s30;
	p0 =	slt.u32 s31, $0xF8;
	s5 =	sadd.s32 s5, s30;
	[tilespmem:s6+$0x8010] =	vst v3;
	v4 =	vadd.f32 v4, v1;
	v9 =	vld [tilespmem:s6+$0x10030]  }
0x49: {  	s20 =	sand.u32 $0xFFFFFF80, s30;
	s1 =	sor.u32 $0x70, s5;
	[tilespmem:s6+$0x9010] =	vst v5;
	v5 =	vld [tilespmem:s6+$0x30]  }
0x4a: {  	v3 =	vld [tilespmem:s1+$0x10000];
	[tilespmem:s6+$0xA010] =	vst v4;
	v4 =	vadd.f32 v6, v2  }
0x4b: {  	v6 =	vld [tilespmem:s1+$0x0];
	v7 =	vadd.f32 v7, v2  }
0x4c: {  	[tilespmem:s6+$0x8020] =	vst v4;
	v4 =	vadd.f32 v8, v2;
	v8 =	vld [tilespmem:s6+$0x1030]  }
0x4d: {  	[tilespmem:s6+$0x9020] =	vst v7;
	v7 =	vld [tilespmem:s6+$0x2030]  }
0x4e: {  	[tilespmem:s6+$0xA020] =	vst v4;
	v4 =	vadd.f32 v5, v9;
	v5 =	vld [tilespmem:s6+$0x10040]  }
0x4f: {  	v10 =	vld [tilespmem:s6+$0x40]  }
0x50: {  	v6 =	vadd.f32 v6, v3;
	[tilespmem:s6+$0x8030] =	vst v4;
	v4 =	vld [tilespmem:s6+$0x1040]  }
0x51: {  	v8 =	vadd.f32 v8, v9;
	v11 =	vld [tilespmem:s6+$0x2040]  }
0x52: {  	[tilespmem:s1+$0x8000] =	vst v6;
	s1 =	sor.u32 $0x1070, s5;
	v6 =	vadd.f32 v7, v9;
	v7 =	vld [tilespmem:s6+$0x10050]  }
0x53: {  	v12 =	vld [tilespmem:s1+$0x0];
	[tilespmem:s6+$0x9030] =	vst v8  }
0x54: {  	[tilespmem:s6+$0xA030] =	vst v6;
	v6 =	vadd.f32 v10, v5;
	v8 =	vld [tilespmem:s6+$0x50]  }
0x55: {  	v4 =	vadd.f32 v4, v5;
	v10 =	vld [tilespmem:s6+$0x1050]  }
0x56: {  	[tilespmem:s6+$0x8040] =	vst v6;
	v6 =	vadd.f32 v11, v5;
	v11 =	vld [tilespmem:s6+$0x2050]  }
0x57: {  	[tilespmem:s6+$0x9040] =	vst v4;
	v4 =	vld [tilespmem:s6+$0x10060]  }
0x58: {  	v12 =	vadd.f32 v12, v3;
	[tilespmem:s6+$0xA040] =	vst v6;
	v6 =	vld [tilespmem:s6+$0x60]  }
0x59: {  	v8 =	vadd.f32 v8, v7;
	v13 =	vld [tilespmem:s6+$0x1060]  }
0x5a: {  	[tilespmem:s1+$0x8000] =	vst v12;
	s1 =	sor.u32 $0x2070, s5;
	v10 =	vadd.f32 v10, v7;
	v12 =	vld [tilespmem:s6+$0x2060]  }
0x5b: {  	v14 =	vld [tilespmem:s1+$0x0];
	[tilespmem:s6+$0x8050] =	vst v8;
	v8 =	vadd.f32 v11, v7  }
0x5c: {  	v11 =	vld [tilespmem:s29+$0x0];
	[tilespmem:s6+$0x9050] =	vst v10  }
0x5d: {  	v10 =	vld [tilespmem:s25+$0x0];
	[tilespmem:s6+$0xA050] =	vst v8;
	v6 =	vadd.f32 v6, v4  }
0x5e: {  	v8 =	vld [tilespmem:s23+$0x0];
	v13 =	vadd.f32 v13, v4  }
0x5f: {  	v15 =	vld [tilespmem:s24+$0x0];
	[tilespmem:s6+$0x8060] =	vst v6;
	v6 =	vadd.f32 v12, v4  }
0x60: {  	s18 =	sadd.s32 $0x200, s18;
	v12 =	vadd.f32 v14, v3;
	v14 =	vld [tilespmem:s22+$0x0];
	[tilespmem:s6+$0x9060] =	vst v13  }
0x61: {  	s3 =	sor.u32 s18, s30;
	s20 =	sadd.s32 s20, s18;
	s5 =	sand.u32 $0xE00, s18;
	v0 =	vadd.f32 v11, v0;
	v11 =	vld [tilespmem:s11+$0x0];
	[tilespmem:s6+$0xA060] =	vst v6  }
0x62: {  	s6 =	sor.u32 s19, s5;
	s5 =	sor.u32 $0x3000, s20;
	[tilespmem:s1+$0x8000] =	vst v12;
	s1 =	sor.u32 $0x3070, s3;
	v1 =	vadd.f32 v10, v1;
	v6 =	vld [tilespmem:s21+$0x0]  }
0x63: {  	s4 =	sor.u32 $0x3030, s20;
	s19 =	sor.u32 $0x3020, s20;
	s3 =	sor.u32 $0x3010, s20;
	v10 =	vld [tilespmem:s1+$0x0];
	[tilespmem:s29+$0x8000] =	vst v0;
	v2 =	vadd.f32 v8, v2  }
0x64: {  	s8 =	sor.u32 $0x3040, s20;
	s9 =	sor.u32 $0x3050, s20;
	s20 =	sor.u32 $0x3060, s20;
	v0 =	vld [tilespmem:s6+$0x10000];
	[tilespmem:s25+$0x8000] =	vst v1;
	v1 =	vadd.f32 v15, v9  }
0x65: {  	s29 =	smov.u32 s5;
	s25 =	smov.u32 s3;
	v8 =	vld [tilespmem:s6+$0x0];
	[tilespmem:s23+$0x8000] =	vst v2;
	v2 =	vadd.f32 v14, v5;
	s23 =	smov.u32 s19  }
0x66: {  	v9 =	vld [tilespmem:s6+$0x1000];
	[tilespmem:s24+$0x8000] =	vst v1;
	v5 =	vadd.f32 v11, v7;
	s24 =	smov.u32 s4  }
0x67: {  	v7 =	vld [tilespmem:s6+$0x2000];
	[tilespmem:s22+$0x8000] =	vst v2;
	v2 =	vadd.f32 v6, v4;
	s22 =	smov.u32 s8  }
0x68: {  	v1 =	vld [tilespmem:s6+$0x10010];
	v4 =	vadd.f32 v10, v3;
	[tilespmem:s11+$0x8000] =	vst v5;
	s11 =	smov.u32 s9  }
.Ltmp0:
0x69: {  	v3 =	vld [tilespmem:s6+$0x10];
	[tilespmem:s21+$0x8000] =	vst v2;
	s21 =	smov.u32 s20;
	(pc) =	sbr.rel @p0 .LBB2_3-.Ltmp0, $4  }
0x6a: {  	v2 =	vadd.f32 v8, v0;
	v5 =	vld [tilespmem:s6+$0x1010];
	[tilespmem:s1+$0x8000] =	vst v4  }
0x6b: {  	v6 =	vadd.f32 v9, v0;
	v4 =	vld [tilespmem:s6+$0x2010]  }
0x6c: {  	[tilespmem:s6+$0x8000] =	vst v2;
	v7 =	vadd.f32 v7, v0;
	v2 =	vld [tilespmem:s6+$0x10020]  }
0x6d: {  	s0 =	sadd.s32 $0x1, s0;
	[tilespmem:s6+$0x9000] =	vst v6;
	v6 =	vld [tilespmem:s6+$0x20]  }
0x6e: {  	v8 =	vld [tilespmem:s6+$0x1020]  }
0x6f: {  	v9 =	vld [tilespmem:s6+$0x2020]  }
0x70: {  	v10 =	vld [tilespmem:s6+$0x10030]  }
0x71: {  	v11 =	vld [tilespmem:s6+$0x30]  }
0x72: {  	v12 =	vld [tilespmem:s6+$0x1030];
	v3 =	vadd.f32 v3, v1  }
0x73: {  	v13 =	vld [tilespmem:s6+$0x2030];
	[tilespmem:s6+$0xA000] =	vst v7;
	v5 =	vadd.f32 v5, v1  }
0x74: {  	v7 =	vld [tilespmem:s6+$0x10040];
	[tilespmem:s6+$0x8010] =	vst v3;
	v3 =	vadd.f32 v4, v1  }
0x75: {  	v4 =	vld [tilespmem:s6+$0x40];
	[tilespmem:s6+$0x9010] =	vst v5;
	v5 =	vadd.f32 v6, v2  }
0x76: {  	v6 =	vld [tilespmem:s6+$0x1040];
	[tilespmem:s6+$0xA010] =	vst v3;
	v3 =	vadd.f32 v8, v2  }
0x77: {  	v8 =	vld [tilespmem:s6+$0x2040];
	[tilespmem:s6+$0x8020] =	vst v5;
	v5 =	vadd.f32 v9, v2  }
0x78: {  	v9 =	vld [tilespmem:s6+$0x10050];
	[tilespmem:s6+$0x9020] =	vst v3;
	v3 =	vadd.f32 v11, v10  }
0x79: {  	v11 =	vld [tilespmem:s6+$0x50];
	[tilespmem:s6+$0xA020] =	vst v5;
	v5 =	vadd.f32 v12, v10  }
0x7a: {  	v12 =	vld [tilespmem:s6+$0x1050];
	[tilespmem:s6+$0x8030] =	vst v3;
	v3 =	vadd.f32 v13, v10  }
0x7b: {  	v4 =	vadd.f32 v4, v7;
	v13 =	vld [tilespmem:s6+$0x2050];
	[tilespmem:s6+$0x9030] =	vst v5  }
0x7c: {  	v5 =	vld [tilespmem:s6+$0x10060];
	[tilespmem:s6+$0xA030] =	vst v3;
	v3 =	vadd.f32 v6, v7  }
0x7d: {  	[tilespmem:s6+$0x8040] =	vst v4;
	v4 =	vadd.f32 v8, v7;
	v6 =	vld [tilespmem:s6+$0x60]  }
0x7e: {  	v8 =	vld [tilespmem:s6+$0x1060];
	[tilespmem:s6+$0x9040] =	vst v3;
	v3 =	vadd.f32 v11, v9  }
0x7f: {  	[tilespmem:s6+$0xA040] =	vst v4;
	v11 =	vld [tilespmem:s6+$0x2060];
	v4 =	vadd.f32 v12, v9  }
0x80: {  	v12 =	vld [tilespmem:s29+$0x0];
	[tilespmem:s6+$0x8050] =	vst v3;
	v3 =	vadd.f32 v13, v9  }
0x81: {  	[tilespmem:s6+$0x9050] =	vst v4;
	v4 =	vld [tilespmem:s25+$0x0]  }
0x82: {  	v6 =	vadd.f32 v6, v5;
	[tilespmem:s6+$0xA050] =	vst v3;
	v3 =	vld [tilespmem:s23+$0x0]  }
0x83: {  	v8 =	vadd.f32 v8, v5;
	v13 =	vld [tilespmem:s24+$0x0]  }
0x84: {  	[tilespmem:s6+$0x8060] =	vst v6;
	v6 =	vadd.f32 v11, v5;
	v11 =	vld [tilespmem:s22+$0x0]  }
0x85: {  	[tilespmem:s6+$0x9060] =	vst v8;
	v0 =	vadd.f32 v12, v0  }
0x86: {  	[tilespmem:s6+$0xA060] =	vst v6;
	v1 =	vadd.f32 v4, v1  }
0x87: {  	v8 =	vld [tilespmem:s11+$0x0];
	[tilespmem:s29+$0x8000] =	vst v0;
	v0 =	vadd.f32 v3, v2  }
0x88: {  	v4 =	vld [tilespmem:s21+$0x0];
	[tilespmem:s25+$0x8000] =	vst v1;
	v1 =	vadd.f32 v13, v10  }
0x89: {  	[tilespmem:s23+$0x8000] =	vst v0;
	v0 =	vadd.f32 v11, v7  }
0x8a: {  	[tilespmem:s24+$0x8000] =	vst v1  }
0x8b: {  	[tilespmem:s22+$0x8000] =	vst v0  }
0x8c: {  	v1 =	vadd.f32 v8, v9;
	s0 =	rddreg [dreg:$0x6]  }
0x8d: {  	v0 =	vadd.f32 v4, v5;
	s0 =	sadd.s32 s0, s12  }
0x8e: {  	s1 =	rddreg [dreg:$0x2];
	[tilespmem:s11+$0x8000] =	vst v1;
	s0 =	sshll.u32 s0, $0xA  }
0x8f: {  	s24 =	simm.s32 $0x8000;
	[tilespmem:s21+$0x8000] =	vst v0;
	s0 =	sadd.s32 s1, s0  }
0x90: {  	[hbm4b:s0+s15] =	stream.strided.scatter [tilespmem:s24], [sflag:$0x5], $0x1000, s16, s15, $0x38;
	[tilespmem:$0x12000] =	vst v63  }
0x91: {  	s3 =	simm.s32 $0x9000;
	s25 =	sadd.s32 $0x40000, s0  }
0x92: {  	[hbm4b:s25+s15] =	stream.strided.scatter [tilespmem:s3], [sflag:$0x5], $0x1000, s16, s15, $0x38;
	[tilespmem:$0x12000] =	vst v63  }
0x93: {  	s5 =	simm.s32 $0xA000;
	s4 =	sadd.s32 $0x80000, s0  }
0x94: {  	[hbm4b:s4+s15] =	stream.strided.scatter [tilespmem:s5], [sflag:$0x5], $0x1000, s16, s15, $0x38;
	[tilespmem:$0x12000] =	vst v63  }
0x95: {  	s6 =	simm.s32 $0xB000;
	s0 =	sadd.s32 $0xC0000, s0  }
0x96: {  	[hbm4b:s0+s15] =	stream.strided.scatter [tilespmem:s6], [sflag:$0x5], $0x1000, s16, s15, $0x38;
	[tilespmem:$0x12000] =	vst v63  }
0x97: {  	p0 =	seq.s32 s12, $0x7;
	s0 =	rddreg [dreg:$0x7]  }
0x98: {  	s1 =	rddreg [dreg:$0x1];
	s3 =	simm.s32 @!p0 $0x200;
	s0 =	sadd.s32 @!p0 s7, s0  }
0x99: {  	s4 =	simm.s32 @!p0 $0x400;
	s5 =	simm.s32 @!p0 $0x10000;
	s1 =	sadd.s32 @!p0 s1, s0  }
0x9a: {  	[tilespmem:s5], [sflag:$0x3] =	stream.strided.gather @!p0 [hbm4b:s1+s3], $0x1000, s4, s3, $0x38;
	[tilespmem:$0x12000] =	vst v63  }
0x9b: {  	s0 =	sadd.s32 @!p0 s14, s0;
	s1 =	simm.s32 @!p0 $0x0  }
0x9c: {  	[tilespmem:s1], [sflag:$0x1] =	stream.strided.gather @!p0 [hbm4b:s0+s3], $0x1000, s4, s3, $0x38;
	[tilespmem:$0x12000] =	vst v63  }
0x9d: {  	s5 =	simm.s32 @!p0 $0x1000;
	s1 =	sadd.s32 @!p0 $0x40000, s0  }
0x9e: {  	[tilespmem:s5], [sflag:$0x1] =	stream.strided.gather @!p0 [hbm4b:s1+s3], $0x1000, s4, s3, $0x38;
	[tilespmem:$0x12000] =	vst v63  }
0x9f: {  	s1 =	sadd.s32 @!p0 $0x80000, s0;
	s5 =	simm.s32 @!p0 $0x2000  }
0xa0: {  	[tilespmem:s5], [sflag:$0x1] =	stream.strided.gather @!p0 [hbm4b:s1+s3], $0x1000, s4, s3, $0x38;
	[tilespmem:$0x12000] =	vst v63  }
0xa1: {  	p1 =	seq.s32 @!p0 s12, $0x0;
	s0 =	sadd.s32 @!p0 $0xC0000, s0;
	s1 =	simm.s32 @!p0 $0x3000  }
0xa2: {  	[tilespmem:s1], [sflag:$0x1] =	stream.strided.gather @!p0 [hbm4b:s0+s3], $0x1000, s4, s3, $0x38;
	[tilespmem:$0x12000] =	vst v63  }
0xa3: {  	p0 =	por p0, !p1  }
0xa4: {  	_ =	swait.ge @p0 [sflag:s10], $0x4000  }
0xa5: {  	[sflag:s10] =	ssyncset.done @p0 $0x0  }
0xa6: {  	[sflag:s10] =	ssyncadd.s32 @p0 $0xFFFFC000  }
0xa7: {  	_ =	swait.ge [sflag:s2], $0x1000  }
0xa8: {  	[sflag:s2] =	ssyncset.done $0x0  }
0xa9: {  	s8 =	simm.s32 $0x0;
	[sflag:s2] =	ssyncadd.s32 $0xFFFFF000  }
0xaa: {  	s9 =	sand.u32 $0x7, s8;
	s18 =	sand.u32 $0x180, s8;
	_ =	swait.ge [sflag:s17], $0x4000  }
0xab: {  	s11 =	sand.u32 $0xE00, s8;
	s1 =	sshll.u32 s9, $0x9;
	[sflag:s17] =	ssyncset.done $0x0  }
0xac: {  	s6 =	sor.u32 s18, s11;
	s1 =	sadd.s32 $0x0, s1;
	[sflag:s17] =	ssyncadd.s32 $0xFFFFC000  }
0xad: {  	s19 =	sor.u32 $0x4070, s1;
	v2 =	vld [tilespmem:s6+$0x11070]  }
0xae: {  	v0 =	vld [tilespmem:s19+$0x0]  }
0xaf: {  	v3 =	vld [tilespmem:s6+$0x11000]  }
0xb0: {  	v1 =	vld [tilespmem:s6+$0x4000]  }
0xb1: {  	v4 =	vld [tilespmem:s6+$0x5000]  }
0xb2: {  	v5 =	vld [tilespmem:s6+$0x6000]  }
0xb3: {  	v6 =	vld [tilespmem:s6+$0x11010]  }
0xb4: {  	v7 =	vld [tilespmem:s6+$0x4010]  }
0xb5: {  	v8 =	vld [tilespmem:s6+$0x5010]  }
0xb6: {  	v9 =	vld [tilespmem:s6+$0x6010]  }
0xb7: {  	v10 =	vld [tilespmem:s6+$0x11020]  }
0xb8: {  	v11 =	vld [tilespmem:s6+$0x4020]  }
0xb9: {  	v12 =	vld [tilespmem:s6+$0x5020];
	v0 =	vadd.f32 v0, v2  }
0xba: {  	v13 =	vld [tilespmem:s6+$0x6020]  }
0xbb: {  	s22 =	simm.s32 $0x1;
	s20 =	sor.u32 $0x5070, s1;
	v14 =	vld [tilespmem:s6+$0x11030];
	[tilespmem:s19+$0x8000] =	vst v0  }
0xbc: {  	s7 =	sand.u32 $0x7, s22;
	v0 =	vld [tilespmem:s20+$0x0]  }
0xbd: {  	s23 =	sshll.u32 s7, $0x9;
	v15 =	vld [tilespmem:s6+$0x4030]  }
0xbe: {  	s21 =	sor.u32 s8, s8;
	s25 =	sadd.s32 $0x10, s23;
	v16 =	vld [tilespmem:s6+$0x5030];
	v4 =	vadd.f32 v4, v3  }
0xbf: {  	s5 =	sor.u32 $0x7070, s21;
	s21 =	sor.u32 $0x4070, s25;
	v17 =	vld [tilespmem:s6+$0x11050];
	v11 =	vadd.f32 v11, v10  }
0xc0: {  	v20 =	vld [tilespmem:s21+$0x0];
	[tilespmem:s6+$0xD000] =	vst v4;
	v4 =	vadd.f32 v7, v6  }
0xc1: {  	v7 =	vld [tilespmem:s6+$0x11040];
	[tilespmem:s6+$0xC020] =	vst v11;
	v0 =	vadd.f32 v0, v2  }
0xc2: {  	[tilespmem:s6+$0xC010] =	vst v4;
	v4 =	vld [tilespmem:s6+$0x5040]  }
0xc3: {  	s18 =	simm.s32 $0x200;
	s11 =	simm.s32 $0x10;
	s1 =	sor.u32 $0x6070, s1;
	v11 =	vld [tilespmem:s6+$0x4050];
	[tilespmem:s20+$0x8000] =	vst v0;
	v0 =	vadd.f32 v1, v3  }
0xc4: {  	s24 =	sand.u32 $0x180, s11;
	s20 =	sand.u32 $0xE00, s18;
	v1 =	vld [tilespmem:s1+$0x0]  }
0xc5: {  	s7 =	sor.u32 s24, s20;
	[tilespmem:s6+$0xC000] =	vst v0;
	v0 =	vadd.f32 v5, v3;
	v5 =	vld [tilespmem:s6+$0x6030]  }
0xc6: {  	v19 =	vld [tilespmem:s7+$0x11070]  }
0xc7: {  	v4 =	vadd.f32 v4, v7;
	v21 =	vld [tilespmem:s7+$0x5000]  }
0xc8: {  	v22 =	vld [tilespmem:s7+$0x6000];
	[tilespmem:s6+$0xE000] =	vst v0;
	v0 =	vadd.f32 v8, v6  }
0xc9: {  	[tilespmem:s6+$0xD040] =	vst v4;
	v8 =	vld [tilespmem:s6+$0x4040];
	v1 =	vadd.f32 v1, v2  }
0xca: {  	[tilespmem:s6+$0xD010] =	vst v0;
	v0 =	vadd.f32 v9, v6;
	v9 =	vld [tilespmem:s6+$0x6040]  }
0xcb: {  	s0 =	sand.u32 $0xFFFFFF80, s8;
	v5 =	vadd.f32 v5, v14;
	[tilespmem:s1+$0x8000] =	vst v1;
	v1 =	vadd.f32 v13, v10;
	v13 =	vld [tilespmem:s6+$0x5050]  }
0xcc: {  	s0 =	sadd.s32 $0x0, s0;
	[tilespmem:s6+$0xE010] =	vst v0;
	v0 =	vadd.f32 v12, v10;
	v12 =	vld [tilespmem:s5+$0x0]  }
0xcd: {  	s1 =	sor.u32 $0x7000, s0;
	[tilespmem:s6+$0xE030] =	vst v5;
	v5 =	vld [tilespmem:s6+$0x5060]  }
0xce: {  	v4 =	vadd.f32 v11, v17;
	v11 =	vld [tilespmem:s1+$0x0];
	[tilespmem:s6+$0xD020] =	vst v0;
	v0 =	vadd.f32 v15, v14  }
0xcf: {  	[tilespmem:s6+$0xE020] =	vst v1;
	v1 =	vadd.f32 v16, v14;
	v15 =	vld [tilespmem:s6+$0x6050]  }
0xd0: {  	[tilespmem:s6+$0xC030] =	vst v0;
	v0 =	vld [tilespmem:s6+$0x11060]  }
0xd1: {  	s8 =	sor.u32 $0x7030, s0;
	[tilespmem:s6+$0xD030] =	vst v1;
	v1 =	vadd.f32 v8, v7;
	v8 =	vld [tilespmem:s6+$0x4060]  }
0xd2: {  	v62 =	vld [tilespmem:s8+$0x0]  }
0xd3: {  	[tilespmem:s6+$0xC040] =	vst v1;
	v1 =	vadd.f32 v9, v7;
	v9 =	vld [tilespmem:s6+$0x6060]  }
0xd4: {  	v2 =	vadd.f32 v12, v2;
	v12 =	vld [tilespmem:s7+$0x4000]  }
0xd5: {  	s4 =	sor.u32 $0x7020, s0;
	[tilespmem:s6+$0xC050] =	vst v4;
	v3 =	vadd.f32 v11, v3;
	v11 =	vld [tilespmem:s7+$0x6010]  }
0xd6: {  	s3 =	sor.u32 $0x7010, s0;
	v4 =	vadd.f32 v15, v17;
	v15 =	vld [tilespmem:s4+$0x0];
	[tilespmem:s6+$0xE040] =	vst v1  }
0xd7: {  	v1 =	vadd.f32 v13, v17;
	v13 =	vld [tilespmem:s3+$0x0];
	[tilespmem:s5+$0x8000] =	vst v2  }
0xd8: {  	v2 =	vld [tilespmem:s7+$0x11010];
	[tilespmem:s1+$0x8000] =	vst v3  }
0xd9: {  	s9 =	sor.u32 $0x7040, s0;
	v3 =	vld [tilespmem:s7+$0x11020];
	[tilespmem:s6+$0xE050] =	vst v4;
	v8 =	vadd.f32 v8, v0  }
0xda: {  	v4 =	vld [tilespmem:s9+$0x0];
	v5 =	vadd.f32 v5, v0;
	[tilespmem:s6+$0xD050] =	vst v1  }
0xdb: {  	s19 =	sor.u32 $0x7050, s0;
	v1 =	vld [tilespmem:s7+$0x11000];
	[tilespmem:s6+$0xC060] =	vst v8;
	v8 =	vadd.f32 v20, v19  }
0xdc: {  	v18 =	vld [tilespmem:s19+$0x0];
	v9 =	vadd.f32 v9, v0;
	[tilespmem:s6+$0xD060] =	vst v5  }
0xdd: {  	v5 =	vld [tilespmem:s7+$0x4010];
	v10 =	vadd.f32 v15, v10;
	[tilespmem:s21+$0x8000] =	vst v8;
	s21 =	sor.u32 $0x5070, s25  }
0xde: {  	v6 =	vadd.f32 v13, v6;
	[tilespmem:s6+$0xE060] =	vst v9;
	v9 =	vld [tilespmem:s21+$0x0]  }
0xdf: {  	v15 =	vld [tilespmem:s7+$0x6040];
	v11 =	vadd.f32 v11, v2;
	[tilespmem:s4+$0x8000] =	vst v10  }
0xe0: {  	v8 =	vld [tilespmem:s7+$0x5010];
	[tilespmem:s3+$0x8000] =	vst v6;
	v6 =	vadd.f32 v62, v14  }
0xe1: {  	v13 =	vld [tilespmem:s7+$0x6020];
	v4 =	vadd.f32 v4, v7;
	[tilespmem:s7+$0xE010] =	vst v11  }
0xe2: {  	v7 =	vld [tilespmem:s7+$0x4020];
	[tilespmem:s8+$0x8000] =	vst v6;
	v6 =	vadd.f32 v18, v17  }
0xe3: {  	v10 =	vld [tilespmem:s7+$0x5020];
	[tilespmem:s9+$0x8000] =	vst v4;
	v9 =	vadd.f32 v9, v19  }
0xe4: {  	v11 =	vld [tilespmem:s7+$0x5040];
	[tilespmem:s19+$0x8000] =	vst v6;
	v6 =	vadd.f32 v12, v1  }
0xe5: {  	v4 =	vld [tilespmem:s7+$0x11030];
	v5 =	vadd.f32 v5, v2;
	[tilespmem:s21+$0x8000] =	vst v9  }
0xe6: {  	s22 =	sor.u32 $0x6070, s25;
	v9 =	vld [tilespmem:s7+$0x4030];
	[tilespmem:s7+$0xC000] =	vst v6;
	v6 =	vadd.f32 v22, v1  }
0xe7: {  	[tilespmem:s7+$0xC010] =	vst v5;
	v12 =	vadd.f32 v21, v1;
	v14 =	vld [tilespmem:s22+$0x0]  }
0xe8: {  	v5 =	vld [tilespmem:s7+$0x11040];
	[tilespmem:s7+$0xE000] =	vst v6;
	v6 =	vadd.f32 v8, v2  }
0xe9: {  	v13 =	vadd.f32 v13, v3;
	[tilespmem:s7+$0xD000] =	vst v12;
	v12 =	vld [tilespmem:s7+$0x5030]  }
0xea: {  	v8 =	vld [tilespmem:s7+$0x6030];
	[tilespmem:s7+$0xD010] =	vst v6;
	v6 =	vadd.f32 v7, v3  }
0xeb: {  	[tilespmem:s7+$0xE020] =	vst v13;
	v7 =	vld [tilespmem:s7+$0x4040];
	v9 =	vadd.f32 v9, v4  }
0xec: {  	v13 =	vld [tilespmem:s7+$0x4050];
	v14 =	vadd.f32 v14, v19;
	[tilespmem:s7+$0xC020] =	vst v6  }
0xed: {  	s23 =	sor.u32 s18, s11;
	v10 =	vadd.f32 v10, v3;
	v6 =	vld [tilespmem:s7+$0x11050];
	[tilespmem:s7+$0xC030] =	vst v9  }
0xee: {  	s24 =	sor.u32 $0x7070, s23;
	v12 =	vadd.f32 v12, v4;
	v9 =	vld [tilespmem:s7+$0x5050];
	[tilespmem:s22+$0x8000] =	vst v14  }
0xef: {  	[tilespmem:s7+$0xD020] =	vst v10;
	v8 =	vadd.f32 v8, v4;
	v10 =	vld [tilespmem:s24+$0x0]  }
0xf0: {  	[tilespmem:s7+$0xD030] =	vst v12;
	v14 =	vld [tilespmem:s7+$0x6050];
	v12 =	vadd.f32 v7, v5  }
0xf1: {  	[tilespmem:s7+$0xE030] =	vst v8;
	v8 =	vadd.f32 v11, v5;
	v7 =	vld [tilespmem:s7+$0x11060]  }
0xf2: {  	s25 =	sand.u32 $0xFFFFFF80, s11;
	v11 =	vadd.f32 v15, v5;
	v15 =	vld [tilespmem:s7+$0x4060];
	[tilespmem:s7+$0xC040] =	vst v12  }
0xf3: {  	v63 =	vld [tilespmem:s7+$0x5060];
	s3 =	sadd.s32 $0x200, s25;
	[tilespmem:s7+$0xD040] =	vst v8;
	v12 =	vadd.f32 v13, v6  }
0xf4: {  	s11 =	sor.u32 $0x7000, s3;
	[tilespmem:s7+$0xE040] =	vst v11;
	v8 =	vadd.f32 v10, v19;
	v10 =	vld [tilespmem:s7+$0x6060]  }
0xf5: {  	s30 =	simm.s32 $0x8;
	s21 =	sor.u32 $0x7010, s3;
	v11 =	vld [tilespmem:s11+$0x0];
	v9 =	vadd.f32 v9, v6;
	[tilespmem:s7+$0xC050] =	vst v12  }
0xf6: {  	s31 =	simm.s32 $0x400;
	s18 =	simm.s32 $0x2;
	s29 =	sor.u32 $0x7020, s3;
	v12 =	vld [tilespmem:s21+$0x0];
	[tilespmem:s24+$0x8000] =	vst v8;
	v8 =	vadd.f32 v14, v6  }
0xf7: {  	s6 =	sor.u32 $0x7060, s0;
	s0 =	simm.s32 $0x20;
	[tilespmem:s7+$0xD050] =	vst v9;
	v9 =	vld [tilespmem:s29+$0x0];
	s24 =	sor.u32 $0x7030, s3;
	v14 =	vadd.f32 v15, v7  }
0xf8: {  	s25 =	sor.u32 $0x7040, s3;
	s23 =	sor.u32 $0x7050, s3;
	s22 =	sor.u32 $0x7060, s3;
	v13 =	vadd.f32 v63, v7;
	[tilespmem:s7+$0xE050] =	vst v8;
	v8 =	vld [tilespmem:s24+$0x0]  }
.LBB2_5:
0xf9: {  	s1 =	sand.u32 $0x7, s18;
	s3 =	sand.u32 $0xE00, s31;
	s30 =	sadd.s32 $0x8, s30;
	v15 =	vld [tilespmem:s25+$0x0];
	[tilespmem:s7+$0xC060] =	vst v14;
	v10 =	vadd.f32 v10, v7  }
0xfa: {  	s4 =	sand.u32 $0x180, s0;
	s1 =	sshll.u32 s1, $0x9;
	p0 =	slt.u32 s30, $0xF8;
	v1 =	vadd.f32 v11, v1;
	v11 =	vld [tilespmem:s23+$0x0];
	[tilespmem:s7+$0xD060] =	vst v13  }
0xfb: {  	s5 =	sand.u32 $0xFFFFFF80, s0;
	s19 =	sadd.s32 s1, s0;
	v2 =	vadd.f32 v12, v2;
	[tilespmem:s7+$0xE060] =	vst v10;
	s7 =	sor.u32 s4, s3;
	v10 =	vld [tilespmem:s6+$0x0]  }
0xfc: {  	s1 =	sadd.s32 s5, s31;
	v12 =	vld [tilespmem:s7+$0x11070];
	s3 =	sor.u32 $0x4070, s19;
	[tilespmem:s11+$0x8000] =	vst v1;
	v3 =	vadd.f32 v9, v3  }
0xfd: {  	s11 =	sor.u32 $0x7000, s1;
	s4 =	sor.u32 $0x7020, s1;
	v9 =	vld [tilespmem:s3+$0x0];
	[tilespmem:s21+$0x8000] =	vst v2;
	s21 =	sor.u32 $0x7010, s1;
	v2 =	vadd.f32 v8, v4  }
0xfe: {  	s5 =	sor.u32 $0x7030, s1;
	s8 =	sor.u32 $0x7040, s1;
	s9 =	sor.u32 $0x7050, s1;
	v1 =	vld [tilespmem:s7+$0x11000];
	[tilespmem:s29+$0x8000] =	vst v3;
	v3 =	vadd.f32 v15, v5  }
0xff: {  	s1 =	sor.u32 $0x7060, s1;
	s29 =	smov.u32 s4;
	v4 =	vld [tilespmem:s7+$0x4000];
	[tilespmem:s24+$0x8000] =	vst v2;
	v2 =	vadd.f32 v11, v6;
	s24 =	smov.u32 s5  }
0x100: {  	v5 =	vld [tilespmem:s7+$0x5000];
	[tilespmem:s25+$0x8000] =	vst v3;
	v3 =	vadd.f32 v10, v0;
	v0 =	vmov v7;
	s25 =	smov.u32 s8  }
0x101: {  	v6 =	vld [tilespmem:s7+$0x6000];
	[tilespmem:s23+$0x8000] =	vst v2;
	s23 =	smov.u32 s9  }
0x102: {  	v2 =	vld [tilespmem:s7+$0x11010];
	v7 =	vadd.f32 v9, v12;
	[tilespmem:s6+$0x8000] =	vst v3;
	s6 =	smov.u32 s22;
	s22 =	smov.u32 s1  }
0x103: {  	v8 =	vld [tilespmem:s7+$0x4010]  }
0x104: {  	s1 =	sor.u32 $0x5070, s19;
	v3 =	vadd.f32 v4, v1;
	v4 =	vld [tilespmem:s7+$0x5010];
	[tilespmem:s3+$0x8000] =	vst v7  }
0x105: {  	v5 =	vadd.f32 v5, v1;
	v7 =	vld [tilespmem:s1+$0x0]  }
0x106: {  	[tilespmem:s7+$0xC000] =	vst v3;
	v6 =	vadd.f32 v6, v1;
	v9 =	vld [tilespmem:s7+$0x6010]  }
0x107: {  	[tilespmem:s7+$0xD000] =	vst v5;
	v3 =	vld [tilespmem:s7+$0x11020]  }
0x108: {  	[tilespmem:s7+$0xE000] =	vst v6;
	v5 =	vadd.f32 v8, v2;
	v6 =	vld [tilespmem:s7+$0x4020]  }
0x109: {  	v4 =	vadd.f32 v4, v2;
	v8 =	vld [tilespmem:s7+$0x5020]  }
0x10a: {  	[tilespmem:s7+$0xC010] =	vst v5;
	v5 =	vld [tilespmem:s7+$0x6020];
	v7 =	vadd.f32 v7, v12  }
0x10b: {  	[tilespmem:s7+$0xD010] =	vst v4;
	v9 =	vadd.f32 v9, v2;
	v4 =	vld [tilespmem:s7+$0x11030]  }
0x10c: {  	v10 =	vld [tilespmem:s7+$0x4030];
	[tilespmem:s1+$0x8000] =	vst v7;
	s1 =	sor.u32 $0x6070, s19  }
0x10d: {  	[tilespmem:s7+$0xE010] =	vst v9;
	v6 =	vadd.f32 v6, v3;
	v7 =	vld [tilespmem:s1+$0x0]  }
0x10e: {  	v8 =	vadd.f32 v8, v3;
	v9 =	vld [tilespmem:s7+$0x5030]  }
0x10f: {  	[tilespmem:s7+$0xC020] =	vst v6;
	v6 =	vadd.f32 v5, v3;
	v11 =	vld [tilespmem:s7+$0x6030]  }
0x110: {  	[tilespmem:s7+$0xD020] =	vst v8;
	v5 =	vld [tilespmem:s7+$0x11040]  }
0x111: {  	[tilespmem:s7+$0xE020] =	vst v6;
	v6 =	vadd.f32 v10, v4;
	v8 =	vld [tilespmem:s7+$0x4040]  }
0x112: {  	v10 =	vld [tilespmem:s7+$0x5040];
	v7 =	vadd.f32 v7, v12  }
0x113: {  	s3 =	sor.u32 s31, s0;
	[tilespmem:s7+$0xC030] =	vst v6;
	v9 =	vadd.f32 v9, v4;
	v13 =	vld [tilespmem:s7+$0x6040]  }
0x114: {  	v11 =	vadd.f32 v11, v4;
	v6 =	vld [tilespmem:s7+$0x11050];
	[tilespmem:s1+$0x8000] =	vst v7;
	s1 =	sor.u32 $0x7070, s3  }
0x115: {  	[tilespmem:s7+$0xD030] =	vst v9;
	v9 =	vld [tilespmem:s1+$0x0]  }
0x116: {  	[tilespmem:s7+$0xE030] =	vst v11;
	v7 =	vadd.f32 v8, v5;
	v8 =	vld [tilespmem:s7+$0x4050]  }
0x117: {  	v10 =	vadd.f32 v10, v5;
	v11 =	vld [tilespmem:s7+$0x5050]  }
0x118: {  	[tilespmem:s7+$0xC040] =	vst v7;
	v13 =	vadd.f32 v13, v5;
	v14 =	vld [tilespmem:s7+$0x6050]  }
0x119: {  	[tilespmem:s7+$0xD040] =	vst v10;
	v7 =	vld [tilespmem:s7+$0x11060]  }
0x11a: {  	[tilespmem:s7+$0xE040] =	vst v13;
	v13 =	vld [tilespmem:s7+$0x4060];
	v9 =	vadd.f32 v9, v12  }
0x11b: {  	v8 =	vadd.f32 v8, v6;
	v15 =	vld [tilespmem:s7+$0x5060]  }
.Ltmp1:
0x11c: {  	v16 =	vadd.f32 v11, v6;
	v10 =	vld [tilespmem:s7+$0x6060];
	[tilespmem:s1+$0x8000] =	vst v9;
	(pc) =	sbr.rel @p0 .LBB2_5-.Ltmp1, $4  }
0x11d: {  	v11 =	vld [tilespmem:s11+$0x0];
	[tilespmem:s7+$0xC050] =	vst v8;
	v8 =	vadd.f32 v14, v6  }
0x11e: {  	v12 =	vld [tilespmem:s21+$0x0];
	[tilespmem:s7+$0xD050] =	vst v16  }
0x11f: {  	v9 =	vld [tilespmem:s29+$0x0];
	[tilespmem:s7+$0xE050] =	vst v8;
	v14 =	vadd.f32 v13, v7  }
0x120: {  	s18 =	sadd.s32 $0x1, s18;
	s31 =	sadd.s32 $0x200, s31;
	s0 =	sadd.s32 $0x10, s0;
	v8 =	vld [tilespmem:s24+$0x0];
	v13 =	vadd.f32 v15, v7  }
0x121: {  	v15 =	vld [tilespmem:s25+$0x0];
	[tilespmem:s7+$0xC060] =	vst v14;
	v10 =	vadd.f32 v10, v7  }
0x122: {  	v56 =	vld [tilespmem:s23+$0x0];
	v1 =	vadd.f32 v11, v1;
	[tilespmem:s7+$0xD060] =	vst v13  }
0x123: {  	v57 =	vld [tilespmem:s6+$0x0];
	v2 =	vadd.f32 v12, v2;
	[tilespmem:s7+$0xE060] =	vst v10  }
0x124: {  	[tilespmem:s11+$0x8000] =	vst v1;
	v58 =	vadd.f32 v9, v3;
	v59 =	vld [tilespmem:s22+$0x0]  }
0x125: {  	[tilespmem:s21+$0x8000] =	vst v2;
	v60 =	vadd.f32 v8, v4  }
0x126: {  	[tilespmem:s29+$0x8000] =	vst v58;
	v61 =	vadd.f32 v15, v5  }
0x127: {  	v62 =	vadd.f32 v56, v6;
	[tilespmem:s24+$0x8000] =	vst v60  }
0x128: {  	v0 =	vadd.f32 v57, v0;
	[tilespmem:s25+$0x8000] =	vst v61  }
0x129: {  	[tilespmem:s23+$0x8000] =	vst v62;
	v63 =	vadd.f32 v59, v7  }
0x12a: {  	s0 =	rddreg [dreg:$0x2];
	[tilespmem:s6+$0x8000] =	vst v0  }
0x12b: {  	s1 =	simm.s32 $0xC000;
	s12 =	sadd.s32 $0x1, s12;
	s0 =	sadd.s32 s0, s13;
	[tilespmem:s22+$0x8000] =	vst v63  }
0x12c: {  	[hbm4b:s0+s15] =	stream.strided.scatter [tilespmem:s1], [sflag:$0x6], $0x1000, s16, s15, $0x38;
	[tilespmem:$0x12000] =	vst v63  }
0x12d: {  	s3 =	simm.s32 $0xD000;
	p0 =	sne.s32 s12, $0x8;
	s25 =	sadd.s32 $0x40000, s0  }
0x12e: {  	[hbm4b:s25+s15] =	stream.strided.scatter [tilespmem:s3], [sflag:$0x6], $0x1000, s16, s15, $0x38;
	[tilespmem:$0x12000] =	vst v63  }
.Ltmp2:
0x12f: {  	_ = 	snop;
	(pc) =	sbr.rel @p0 .LBB2_2-.Ltmp2, $4  }
0x130: {  	s30 =	simm.s32 $0xE000;
	s29 =	sadd.s32 $0x80000, s0  }
0x131: {  	[hbm4b:s29+s15] =	stream.strided.scatter [tilespmem:s30], [sflag:$0x6], $0x1000, s16, s15, $0x38;
	[tilespmem:$0x12000] =	vst v63  }
0x132: {  	s31 =	simm.s32 $0xF000;
	s0 =	sadd.s32 $0xC0000, s0  }
0x133: {  	[hbm4b:s0+s15] =	stream.strided.scatter [tilespmem:s31], [sflag:$0x6], $0x1000, s16, s15, $0x38;
	[tilespmem:$0x12000] =	vst v63  }
0x134: {  	s0 =	simm.s32 $0x5  }
0x135: {  	_ =	swait.ge [sflag:s0], $0x4000  }
0x136: {  	[sflag:s0] =	ssyncset.done $0x0  }
0x137: {  	[sflag:s0] =	ssyncadd.s32 $0xFFFFC000  }
0x138: {  	_ =	swait.ge [sflag:s10], $0x4000  }
0x139: {  	s1 =	rddreg [dreg:$0xd]  }
0x13a: {  	s31 =	rddreg [dreg:$0x8];
	s1 =	sadd.s32 $0x1, s1  }
0x13b: {  	p0 =	sne.s32 s1, s31  }
.Ltmp3:
0x13c: {  	_ = 	snop;
	(pc) =	sbr.rel @p0 .LBB2_1-.Ltmp3, $3  }
0x13d: {  	_ =	sdelay $0x1  }
0x13e: {  	[sflag:s10] =	ssyncset.done $0x0  }
0x13f: {  	[sflag:s10] =	ssyncadd.s32 $0xFFFFC000  }
0x140: {  	_ =	sfence.sel $0x180000  }
0x141: {  	[bflag:$0x0] =	sbarrier.arrive $0xFFFF  }
0x142: {  	_ =	strace $0x90000047  }
0x143: {  	s0 =	stileid.u32;
	[bflag:$0x2] =	sbarrier.arrive $0xFFFF  }
0x144: {  	p0 =	sne.s32 s0, $0x0;
	s0 =	rddreg [dreg:$0x3]  }
0x145: {  	s0 =	sadd.s32 @!p0 $0x100000, s0  }
0x146: {  	[sflag:s0] =	ssyncadd.tile.s32 @!p0 $0x1;
	_ =	shalt  }
.Lfunc_end2:
_tile_overlayer_lowered:
.L_overlay_start_2:
0x147: {  	(tag) =	ssettag $0x2  }
0x148: {  	s0 =	rddreg [dreg:$0x0];
	s2 =	stileid.u32  }
0x149: {  	s1 =	rddreg [dreg:$0x1];
	p0 =	sne.s32 s2, $0x0  }
0x14a: {  	s3 =	rddreg [dreg:$0x2];
	[bflag:$0x3] =	sbarrier.arrive $0xFFFF;
	s2 =	simm.s32 @!p0 $0x1C07  }
0x14b: {  	[timem:s3], [sflag:s2] =	dma.local @!p0 [hbm:s0], s1  }
0x14c: {  	s0 =	simm.s32 @!p0 $0x7  }
0x14d: {  	_ =	swait.ge @!p0 [sflag:s0], s1  }
0x14e: {  	s1 =	ssub.s32 @!p0 $0x0, s1;
	[sflag:s0] =	ssyncset.done @!p0 $0x0  }
0x14f: {  	[sflag:s0] =	ssyncadd.s32 @!p0 s1  }
0x150: {  	[bflag:$0x3] =	sbarrier.arrive $0xFFFF  }
0x151: {  	_ =	shalt  }

</sc_bundles>
